<compile_context>
chip_gen: v7x
topology: tpu7x:2x2x1
jax: 0.10.2.dev20260603
libtpu: 0.0.44.dev20260713+nightly
codegen_flags: <defaults>
</compile_context>

<pallas_src>
import dataclasses

import jax
import jax.numpy as jnp
from jax import lax
from jax.experimental import pallas as pl
from jax.experimental.pallas import tpu as pltpu
from jax.experimental.pallas import tpu_sc as plsc


def _compiler_params():
    cp = pltpu.CompilerParams(use_tc_tiling_on_sc=False)
    if "needs_layout_passes" in pltpu.CompilerParams.__dataclass_fields__:
        cp = dataclasses.replace(cp, needs_layout_passes=False)
    return cp

W_DIM = 64
P_DIM = 16
OUT_DIM = W_DIM + P_DIM
PAD_DIM = 128
NC = 2
NS = 16
NW = NC * NS
BPC = 2
GSPLIT = ((0, 128), (128, 72), (200, 128), (328, 72))


def kernel(word_input, pose_input, word_table, pose_table):
    B, S = word_input.shape
    n = B * S
    chunk = BPC * S
    b_per_w = B // NW
    n_chunks = b_per_w // BPC
    wi = word_input.reshape(n)
    pi = pose_input.reshape(n)

    mesh = plsc.VectorSubcoreMesh(
        core_axis_name="core", subcore_axis_name="subcore"
    )

    @jax.jit
    def run(wt, pt, wi, pi):
        @pl.kernel(
            out_type=jax.ShapeDtypeStruct((B, S, PAD_DIM), jnp.float32),
            mesh=mesh,
            scratch_types=[
                pltpu.VMEM((chunk,), jnp.int32),
                pltpu.VMEM((chunk,), jnp.int32),
                pltpu.VMEM((chunk,), jnp.int32),
                pltpu.VMEM((chunk,), jnp.int32),
                pltpu.VMEM((BPC, S, W_DIM), jnp.float32),
                pltpu.VMEM((BPC, S, W_DIM), jnp.float32),
                pltpu.VMEM((BPC, S, P_DIM), jnp.float32),
                pltpu.VMEM((BPC, S, P_DIM), jnp.float32),
                pltpu.VMEM((100, P_DIM), jnp.float32),
                pltpu.SemaphoreType.DMA,
                pltpu.SemaphoreType.DMA,
                pltpu.SemaphoreType.DMA,
                pltpu.SemaphoreType.DMA,
                pltpu.SemaphoreType.DMA,
                pltpu.SemaphoreType.DMA,
            ],
            compiler_params=_compiler_params(),
        )
        def embed_kernel(
            wt_hbm, pt_hbm, wi_hbm, pi_hbm, o_hbm,
            wi0, wi1, pi0, pi1, wr0, wr1, pr0, pr1, ptv,
            si0, si1, sg0, sg1, so0, so1,
        ):
            wid = lax.axis_index("subcore") * NC + lax.axis_index("core")
            base = wid * b_per_w * S
            bbase = wid * b_per_w
            wiv = (wi0, wi1)
            piv = (pi0, pi1)
            wrv = (wr0, wr1)
            prv = (pr0, pr1)
            si = (si0, si1)
            sg = (sg0, sg1)
            so = (so0, so1)

            def issue_idx(c, b):
                off = base + c * chunk
                pltpu.make_async_copy(
                    wi_hbm.at[pl.ds(off, chunk)], wiv[b], si[b]
                ).start()
                pltpu.make_async_copy(
                    pi_hbm.at[pl.ds(off, chunk)], piv[b], si[b]
                ).start()

            def wait_idx(b):
                pltpu.make_async_copy(
                    wi_hbm.at[pl.ds(base, chunk)], wiv[b], si[b]
                ).wait()
                pltpu.make_async_copy(
                    pi_hbm.at[pl.ds(base, chunk)], piv[b], si[b]
                ).wait()

            def issue_gathers(b):
                for g, (off, ln) in enumerate(GSPLIT):
                    bl = off // S
                    so_ = off % S
                    pltpu.make_async_copy(
                        wt_hbm.at[wiv[b].at[pl.ds(off, ln)]],
                        wrv[b].at[bl, pl.ds(so_, ln)],
                        sg[b],
                    ).start()

            def wait_gathers(b):
                pltpu.make_async_copy(
                    o_hbm.at[pl.ds(bbase, BPC), :, 0:W_DIM], wrv[b], sg[b]
                ).wait()

            def pose_fill(b):
                iota = lax.iota(jnp.int32, 16)

                @pl.loop(0, chunk // 16)
                def _(bg):
                    r = bg * 16 + iota
                    blv = r // S
                    sv = r - blv * S
                    sl16 = pl.ds(bg * 16, 16)
                    pidx = piv[b][sl16]
                    for c in range(P_DIM):
                        v = plsc.load_gather(
                            ptv, [pidx, jnp.full((16,), c, jnp.int32)]
                        )
                        plsc.store_scatter(
                            prv[b], [blv, sv, jnp.full((16,), c, jnp.int32)], v
                        )

            def issue_out(c, b):
                bo = bbase + c * BPC
                pltpu.make_async_copy(
                    wrv[b], o_hbm.at[pl.ds(bo, BPC), :, 0:W_DIM], so[b]
                ).start()
                pltpu.make_async_copy(
                    prv[b], o_hbm.at[pl.ds(bo, BPC), :, W_DIM:OUT_DIM], so[b]
                ).start()

            def wait_out(b):
                pltpu.make_async_copy(
                    wrv[b], o_hbm.at[pl.ds(bbase, BPC), :, 0:W_DIM], so[b]
                ).wait()
                pltpu.make_async_copy(
                    prv[b], o_hbm.at[pl.ds(bbase, BPC), :, W_DIM:OUT_DIM],
                    so[b],
                ).wait()

            pltpu.sync_copy(pt_hbm, ptv)
            issue_idx(0, 0)

            @pl.loop(0, n_chunks // 2)
            def _(ci):
                for j in (0, 1):
                    b = j
                    c = ci * 2 + j
                    wait_idx(b)

                    @pl.when(ci >= 1)
                    def _():
                        wait_out(b)

                    issue_gathers(b)
                    pose_fill(b)
                    if j == 0:
                        @pl.when(ci >= 1)
                        def _():
                            wait_gathers(1)
                            issue_out(c - 1, 1)
                        issue_idx(c + 1, 1)
                    else:
                        wait_gathers(0)
                        issue_out(c - 1, 0)

                        @pl.when(ci < n_chunks // 2 - 1)
                        def _():
                            issue_idx(c + 1, 0)

            wait_gathers(1)
            issue_out(n_chunks - 1, 1)
            wait_out(0)
            wait_out(1)

        return embed_kernel(wt, pt, wi, pi)

    out = run(word_table, pose_table, wi, pi)
    return out[:, :, :OUT_DIM]

# --- scband reference (transcript-rebuilt; emitter-appended) ---
"""Pipeline reference for scband-wembed-67740224192743 (READ-ONLY COPY).

The authoritative reference and input builder live on the scoring server;
editing this copy changes nothing except your own understanding.
"""

import jax, jax.numpy as jnp
import numpy as np

W_SIZE = 1000000
W_DIM = 64
P_SIZE = 100
P_DIM = 16
BATCH = 4096
SEQ = 200


def setup_inputs(seed: int = 0) -> dict:
    key = jax.random.key(seed)
    k1, k2, k3, k4 = jax.random.split(key, 4)
    word_input = jax.random.randint(k1, (BATCH, SEQ), 0, W_SIZE, dtype=jnp.int64 if jax.config.jax_enable_x64 else jnp.int32).astype(jnp.int32)
    pose_input = jax.random.randint(k2, (BATCH, SEQ), 0, P_SIZE, dtype=jnp.int32)
    word_table = jax.random.normal(k3, (W_SIZE, W_DIM), dtype=jnp.float32)
    pose_table = jax.random.normal(k4, (P_SIZE, P_DIM), dtype=jnp.float32)
    return {
        "word_input": word_input,
        "pose_input": pose_input,
        "word_table": word_table,
        "pose_table": pose_table,
    }


def reference(word_input, pose_input, word_table, pose_table):
    # word_encode = self.word_embed(word_input)
    word_encode = jnp.take(word_table, word_input, axis=0)
    # pose_encode = self.pose_embed(pose_input)
    pose_encode = jnp.take(pose_table, pose_input, axis=0)
    # encode = torch.cat([word_encode, pose_encode], dim=-1)
    encode = jnp.concatenate([word_encode, pose_encode], axis=-1)
    return encode

if __name__ == "__main__":
    import jax
    _d = setup_inputs()
    print(jax.jit(kernel)(*tuple(_d.values())))

</pallas_src>

<mosaic_0001>
#map = affine_map<(d0, d1) -> (0, 0)>
#map1 = affine_map<(d0, d1) -> (0)>
#map2 = affine_map<(d0, d1) -> (0, 0, 0)>
module attributes {stable_mosaic.version = 14 : i64} {
  func.func @embed_kernel(%arg0: i32, %arg1: i32, %arg2: memref<1000000x64xf32, #tpu.memory_space<hbm>>, %arg3: memref<100x16xf32, #tpu.memory_space<hbm>>, %arg4: memref<819200xi32, #tpu.memory_space<hbm>>, %arg5: memref<819200xi32, #tpu.memory_space<hbm>>, %arg6: memref<4096x200x128xf32, #tpu.memory_space<hbm>>, %arg7: memref<400xi32, #tpu.memory_space<vmem>>, %arg8: memref<400xi32, #tpu.memory_space<vmem>>, %arg9: memref<400xi32, #tpu.memory_space<vmem>>, %arg10: memref<400xi32, #tpu.memory_space<vmem>>, %arg11: memref<2x200x64xf32, #tpu.memory_space<vmem>>, %arg12: memref<2x200x64xf32, #tpu.memory_space<vmem>>, %arg13: memref<2x200x16xf32, #tpu.memory_space<vmem>>, %arg14: memref<2x200x16xf32, #tpu.memory_space<vmem>>, %arg15: memref<100x16xf32, #tpu.memory_space<vmem>>, %arg16: memref<!tpu.dma_semaphore, #tpu.memory_space<semaphore_mem>>, %arg17: memref<!tpu.dma_semaphore, #tpu.memory_space<semaphore_mem>>, %arg18: memref<!tpu.dma_semaphore, #tpu.memory_space<semaphore_mem>>, %arg19: memref<!tpu.dma_semaphore, #tpu.memory_space<semaphore_mem>>, %arg20: memref<!tpu.dma_semaphore, #tpu.memory_space<semaphore_mem>>, %arg21: memref<!tpu.dma_semaphore, #tpu.memory_space<semaphore_mem>>) attributes {dimension_semantics = [#tpu.dimension_semantics<core_parallel>, #tpu.dimension_semantics<subcore_parallel>], iteration_bounds = array<i64: 2, 16>, scalar_prefetch = 0 : i64, scratch_operands = 15 : i64, tpu.core_type = #tpu.core_type<sc_vector_subcore>, window_params = [{transform_indices = #map}, {transform_indices = #map}, {transform_indices = #map1}, {transform_indices = #map1}, {transform_indices = #map2}]} {
    %mul3A = arith.constant 2 : i32
    %mul3A_0 = arith.muli %arg1, %mul3A : i32
    %add3A = arith.addi %mul3A_0, %arg0 : i32
    %mul3A_1 = arith.constant 128 : i32
    %mul3A_2 = arith.muli %add3A, %mul3A_1 : i32
    %mul3A_3 = arith.constant 200 : i32
    %mul3A_4 = arith.muli %mul3A_2, %mul3A_3 : i32
    %mul3A_5 = arith.constant 128 : i32
    %mul3A_6 = arith.muli %add3A, %mul3A_5 : i32
    "tpu.region"() ({
      %run_scoped3A = tpu.sem_alloc : memref<!tpu.dma_semaphore, #tpu.memory_space<semaphore_mem>>
      tpu.enqueue_dma source(%arg3 : memref<100x16xf32, #tpu.memory_space<hbm>>) target(%arg15 : memref<100x16xf32, #tpu.memory_space<vmem>>) target_semaphore(%run_scoped3A : memref<!tpu.dma_semaphore, #tpu.memory_space<semaphore_mem>>)
      tpu.wait_dma2 semaphore(%run_scoped3A : memref<!tpu.dma_semaphore, #tpu.memory_space<semaphore_mem>>) src(%arg3 : memref<100x16xf32, #tpu.memory_space<hbm>>) dst(%arg15 : memref<100x16xf32, #tpu.memory_space<vmem>>)
      tpu.yield
    }) : () -> ()
    %add3A_7 = arith.constant 0 : i32
    %add3A_8 = arith.addi %mul3A_4, %add3A_7 : i32
    %dma_start3A = tpu.memref_slice %arg4[%add3A_8] : memref<819200xi32, #tpu.memory_space<hbm>> -> memref<400xi32, #tpu.memory_space<hbm>>
    %dma_start3A_9 = tpu.memref_slice %arg4[%add3A_8] : memref<819200xi32, #tpu.memory_space<hbm>> -> memref<400xi32, #tpu.memory_space<hbm>>
    tpu.enqueue_dma source(%dma_start3A_9 : memref<400xi32, #tpu.memory_space<hbm>>) target(%arg7 : memref<400xi32, #tpu.memory_space<vmem>>) target_semaphore(%arg16 : memref<!tpu.dma_semaphore, #tpu.memory_space<semaphore_mem>>)
    %dma_start3A_10 = tpu.memref_slice %arg5[%add3A_8] : memref<819200xi32, #tpu.memory_space<hbm>> -> memref<400xi32, #tpu.memory_space<hbm>>
    %dma_start3A_11 = tpu.memref_slice %arg5[%add3A_8] : memref<819200xi32, #tpu.memory_space<hbm>> -> memref<400xi32, #tpu.memory_space<hbm>>
    tpu.enqueue_dma source(%dma_start3A_11 : memref<400xi32, #tpu.memory_space<hbm>>) target(%arg9 : memref<400xi32, #tpu.memory_space<vmem>>) target_semaphore(%arg16 : memref<!tpu.dma_semaphore, #tpu.memory_space<semaphore_mem>>)
    %scan3A = arith.constant 0 : i32
    %scan3A_12 = arith.constant 32 : i32
    %scan3A_13 = arith.addi %scan3A, %scan3A_12 : i32
    %scan3A_14 = arith.constant 1 : i32
    scf.for %scan3A_59 = %scan3A to %scan3A_13 step %scan3A_14  : i32 {
      %mul3A_60 = arith.constant 1 : i32
      %mul3A_61 = arith.muli %scan3A_59, %mul3A_60 : i32
      %add3A_62 = arith.constant 0 : i32
      %add3A_63 = arith.addi %add3A_62, %mul3A_61 : i32
      %mul3A_64 = arith.constant 2 : i32
      %mul3A_65 = arith.muli %add3A_63, %mul3A_64 : i32
      %add3A_66 = arith.constant 0 : i32
      %add3A_67 = arith.addi %mul3A_65, %add3A_66 : i32
      %dma_wait3A_68 = tpu.memref_slice %arg4[%mul3A_4] : memref<819200xi32, #tpu.memory_space<hbm>> -> memref<400xi32, #tpu.memory_space<hbm>>
      %dma_wait3A_69 = tpu.memref_slice %arg4[%mul3A_4] : memref<819200xi32, #tpu.memory_space<hbm>> -> memref<400xi32, #tpu.memory_space<hbm>>
      tpu.wait_dma2 semaphore(%arg16 : memref<!tpu.dma_semaphore, #tpu.memory_space<semaphore_mem>>) src(%dma_wait3A_69 : memref<400xi32, #tpu.memory_space<hbm>>) dst(%arg7 : memref<400xi32, #tpu.memory_space<vmem>>)
      %dma_wait3A_70 = tpu.memref_slice %arg5[%mul3A_4] : memref<819200xi32, #tpu.memory_space<hbm>> -> memref<400xi32, #tpu.memory_space<hbm>>
      %dma_wait3A_71 = tpu.memref_slice %arg5[%mul3A_4] : memref<819200xi32, #tpu.memory_space<hbm>> -> memref<400xi32, #tpu.memory_space<hbm>>
      tpu.wait_dma2 semaphore(%arg16 : memref<!tpu.dma_semaphore, #tpu.memory_space<semaphore_mem>>) src(%dma_wait3A_71 : memref<400xi32, #tpu.memory_space<hbm>>) dst(%arg9 : memref<400xi32, #tpu.memory_space<vmem>>)
      %ge3A = arith.constant 1 : i32
      %ge3A_72 = arith.cmpi sge, %add3A_63, %ge3A : i32
      %convert_element_type3A = arith.extui %ge3A_72 : i1 to i32
      %cond3A = arith.constant 0 : i32
      %cond3A_73 = arith.cmpi ne, %convert_element_type3A, %cond3A : i32
      scf.if %cond3A_73 {
        %dma_wait3A_218 = arith.constant 0 : i32
        %dma_wait3A_219 = arith.constant 0 : i32
        %dma_wait3A_220 = tpu.memref_slice %arg6[%mul3A_6, %dma_wait3A_218, %dma_wait3A_219] : memref<4096x200x128xf32, #tpu.memory_space<hbm>> -> memref<2x200x64xf32, #tpu.memory_space<hbm>>
        %dma_wait3A_221 = arith.constant 0 : i32
        %dma_wait3A_222 = arith.constant 0 : i32
        %dma_wait3A_223 = tpu.memref_slice %arg6[%mul3A_6, %dma_wait3A_221, %dma_wait3A_222] : memref<4096x200x128xf32, #tpu.memory_space<hbm>> -> memref<2x200x64xf32, #tpu.memory_space<hbm>>
        tpu.wait_dma2 semaphore(%arg20 : memref<!tpu.dma_semaphore, #tpu.memory_space<semaphore_mem>>) src(%arg11 : memref<2x200x64xf32, #tpu.memory_space<vmem>>) dst(%dma_wait3A_223 : memref<2x200x64xf32, #tpu.memory_space<hbm>>)
        %dma_wait3A_224 = arith.constant 0 : i32
        %dma_wait3A_225 = arith.constant 64 : i32
        %dma_wait3A_226 = tpu.memref_slice %arg6[%mul3A_6, %dma_wait3A_224, %dma_wait3A_225] : memref<4096x200x128xf32, #tpu.memory_space<hbm>> -> memref<2x200x16xf32, #tpu.memory_space<hbm>>
        %dma_wait3A_227 = arith.constant 0 : i32
        %dma_wait3A_228 = arith.constant 64 : i32
        %dma_wait3A_229 = tpu.memref_slice %arg6[%mul3A_6, %dma_wait3A_227, %dma_wait3A_228] : memref<4096x200x128xf32, #tpu.memory_space<hbm>> -> memref<2x200x16xf32, #tpu.memory_space<hbm>>
        tpu.wait_dma2 semaphore(%arg20 : memref<!tpu.dma_semaphore, #tpu.memory_space<semaphore_mem>>) src(%arg13 : memref<2x200x16xf32, #tpu.memory_space<vmem>>) dst(%dma_wait3A_229 : memref<2x200x16xf32, #tpu.memory_space<hbm>>)
      } else {
      }
      %dma_start3A_74 = arith.constant 0 : i32
      %dma_start3A_75 = arith.constant 0 : i32
      %dma_start3A_76 = arith.constant 0 : i32
      %dma_start3A_77 = tpu.memref_slice %arg11[%dma_start3A_74, %dma_start3A_75, %dma_start3A_76] : memref<2x200x64xf32, #tpu.memory_space<vmem>> -> memref<1x128x64xf32, #tpu.memory_space<vmem>>
      %dma_start3A_78 = tpu.memref_squeeze %dma_start3A_77 : memref<1x128x64xf32, #tpu.memory_space<vmem>> -> memref<128x64xf32, #tpu.memory_space<vmem>>
      %dma_start3A_79 = arith.constant 0 : i32
      %dma_start3A_80 = tpu.memref_slice %arg7[%dma_start3A_79] : memref<400xi32, #tpu.memory_space<vmem>> -> memref<128xi32, #tpu.memory_space<vmem>>
      %dma_start3A_81 = arith.constant 0 : i32
      %dma_start3A_82 = arith.constant 0 : i32
      %dma_start3A_83 = tpu.memref_slice %arg2[%dma_start3A_81, %dma_start3A_82] : memref<1000000x64xf32, #tpu.memory_space<hbm>> -> memref<1000000x64xf32, #tpu.memory_space<hbm>>
      tpu.enqueue_indirect_dma source(%dma_start3A_83 : memref<1000000x64xf32, #tpu.memory_space<hbm>>) target(%dma_start3A_78 : memref<128x64xf32, #tpu.memory_space<vmem>>) offsets(%dma_start3A_80 : memref<128xi32, #tpu.memory_space<vmem>>) semaphore(%arg18 : memref<!tpu.dma_semaphore, #tpu.memory_space<semaphore_mem>>)
      %dma_start3A_84 = arith.constant 0 : i32
      %dma_start3A_85 = arith.constant 128 : i32
      %dma_start3A_86 = arith.constant 0 : i32
      %dma_start3A_87 = tpu.memref_slice %arg11[%dma_start3A_84, %dma_start3A_85, %dma_start3A_86] : memref<2x200x64xf32, #tpu.memory_space<vmem>> -> memref<1x72x64xf32, #tpu.memory_space<vmem>>
      %dma_start3A_88 = tpu.memref_squeeze %dma_start3A_87 : memref<1x72x64xf32, #tpu.memory_space<vmem>> -> memref<72x64xf32, #tpu.memory_space<vmem>>
      %dma_start3A_89 = arith.constant 128 : i32
      %dma_start3A_90 = tpu.memref_slice %arg7[%dma_start3A_89] : memref<400xi32, #tpu.memory_space<vmem>> -> memref<72xi32, #tpu.memory_space<vmem>>
      %dma_start3A_91 = arith.constant 0 : i32
      %dma_start3A_92 = arith.constant 0 : i32
      %dma_start3A_93 = tpu.memref_slice %arg2[%dma_start3A_91, %dma_start3A_92] : memref<1000000x64xf32, #tpu.memory_space<hbm>> -> memref<1000000x64xf32, #tpu.memory_space<hbm>>
      tpu.enqueue_indirect_dma source(%dma_start3A_93 : memref<1000000x64xf32, #tpu.memory_space<hbm>>) target(%dma_start3A_88 : memref<72x64xf32, #tpu.memory_space<vmem>>) offsets(%dma_start3A_90 : memref<72xi32, #tpu.memory_space<vmem>>) semaphore(%arg18 : memref<!tpu.dma_semaphore, #tpu.memory_space<semaphore_mem>>)
      %dma_start3A_94 = arith.constant 1 : i32
      %dma_start3A_95 = arith.constant 0 : i32
      %dma_start3A_96 = arith.constant 0 : i32
      %dma_start3A_97 = tpu.memref_slice %arg11[%dma_start3A_94, %dma_start3A_95, %dma_start3A_96] : memref<2x200x64xf32, #tpu.memory_space<vmem>> -> memref<1x128x64xf32, #tpu.memory_space<vmem>>
      %dma_start3A_98 = tpu.memref_squeeze %dma_start3A_97 : memref<1x128x64xf32, #tpu.memory_space<vmem>> -> memref<128x64xf32, #tpu.memory_space<vmem>>
      %dma_start3A_99 = arith.constant 200 : i32
      %dma_start3A_100 = tpu.memref_slice %arg7[%dma_start3A_99] : memref<400xi32, #tpu.memory_space<vmem>> -> memref<128xi32, #tpu.memory_space<vmem>>
      %dma_start3A_101 = arith.constant 0 : i32
      %dma_start3A_102 = arith.constant 0 : i32
      %dma_start3A_103 = tpu.memref_slice %arg2[%dma_start3A_101, %dma_start3A_102] : memref<1000000x64xf32, #tpu.memory_space<hbm>> -> memref<1000000x64xf32, #tpu.memory_space<hbm>>
      tpu.enqueue_indirect_dma source(%dma_start3A_103 : memref<1000000x64xf32, #tpu.memory_space<hbm>>) target(%dma_start3A_98 : memref<128x64xf32, #tpu.memory_space<vmem>>) offsets(%dma_start3A_100 : memref<128xi32, #tpu.memory_space<vmem>>) semaphore(%arg18 : memref<!tpu.dma_semaphore, #tpu.memory_space<semaphore_mem>>)
      %dma_start3A_104 = arith.constant 1 : i32
      %dma_start3A_105 = arith.constant 128 : i32
      %dma_start3A_106 = arith.constant 0 : i32
      %dma_start3A_107 = tpu.memref_slice %arg11[%dma_start3A_104, %dma_start3A_105, %dma_start3A_106] : memref<2x200x64xf32, #tpu.memory_space<vmem>> -> memref<1x72x64xf32, #tpu.memory_space<vmem>>
      %dma_start3A_108 = tpu.memref_squeeze %dma_start3A_107 : memref<1x72x64xf32, #tpu.memory_space<vmem>> -> memref<72x64xf32, #tpu.memory_space<vmem>>
      %dma_start3A_109 = arith.constant 328 : i32
      %dma_start3A_110 = tpu.memref_slice %arg7[%dma_start3A_109] : memref<400xi32, #tpu.memory_space<vmem>> -> memref<72xi32, #tpu.memory_space<vmem>>
      %dma_start3A_111 = arith.constant 0 : i32
      %dma_start3A_112 = arith.constant 0 : i32
      %dma_start3A_113 = tpu.memref_slice %arg2[%dma_start3A_111, %dma_start3A_112] : memref<1000000x64xf32, #tpu.memory_space<hbm>> -> memref<1000000x64xf32, #tpu.memory_space<hbm>>
      tpu.enqueue_indirect_dma source(%dma_start3A_113 : memref<1000000x64xf32, #tpu.memory_space<hbm>>) target(%dma_start3A_108 : memref<72x64xf32, #tpu.memory_space<vmem>>) offsets(%dma_start3A_110 : memref<72xi32, #tpu.memory_space<vmem>>) semaphore(%arg18 : memref<!tpu.dma_semaphore, #tpu.memory_space<semaphore_mem>>)
      %iota3A = tpu.iota {dimensions = array<i32: 0>} : vector<16xi32>
      %scan3A_114 = arith.constant 0 : i32
      %scan3A_115 = arith.constant 25 : i32
      %scan3A_116 = arith.addi %scan3A_114, %scan3A_115 : i32
      %scan3A_117 = arith.constant 1 : i32
      scf.for %scan3A_218 = %scan3A_114 to %scan3A_116 step %scan3A_117  : i32 {
        %mul3A_219 = arith.constant 1 : i32
        %mul3A_220 = arith.muli %scan3A_218, %mul3A_219 : i32
        %add3A_221 = arith.constant 0 : i32
        %add3A_222 = arith.addi %add3A_221, %mul3A_220 : i32
        %mul3A_223 = arith.constant 16 : i32
        %mul3A_224 = arith.muli %add3A_222, %mul3A_223 : i32
        %add3A_225 = vector.broadcast %mul3A_224 : i32 to vector<16xi32>
        %add3A_226 = arith.addi %add3A_225, %iota3A : vector<16xi32>
        %jit3A = arith.constant 200 : i32
        %div3A = vector.broadcast %jit3A : i32 to vector<16xi32>
        %div3A_227 = arith.divsi %add3A_226, %div3A : vector<16xi32>
        %sign3A = arith.constant 0 : i32
        %sign3A_228 = vector.broadcast %sign3A : i32 to vector<16xi32>
        %sign3A_229 = arith.cmpi sgt, %add3A_226, %sign3A_228 : vector<16xi32>
        %sign3A_230 = arith.extui %sign3A_229 : vector<16xi1> to vector<16xi32>
        %sign3A_231 = arith.constant 0 : i32
        %sign3A_232 = vector.broadcast %sign3A_231 : i32 to vector<16xi32>
        %sign3A_233 = arith.cmpi slt, %add3A_226, %sign3A_232 : vector<16xi32>
        %sign3A_234 = arith.extui %sign3A_233 : vector<16xi1> to vector<16xi32>
        %sign3A_235 = arith.subi %sign3A_230, %sign3A_234 : vector<16xi32>
        %sign3A_236 = arith.constant 0 : i32
        %sign3A_237 = arith.cmpi sgt, %jit3A, %sign3A_236 : i32
        %sign3A_238 = arith.extui %sign3A_237 : i1 to i32
        %sign3A_239 = arith.constant 0 : i32
        %sign3A_240 = arith.cmpi slt, %jit3A, %sign3A_239 : i32
        %sign3A_241 = arith.extui %sign3A_240 : i1 to i32
        %sign3A_242 = arith.subi %sign3A_238, %sign3A_241 : i32
        %ne3A = vector.broadcast %sign3A_242 : i32 to vector<16xi32>
        %ne3A_243 = arith.cmpi ne, %sign3A_235, %ne3A : vector<16xi32>
        %rem3A = vector.broadcast %jit3A : i32 to vector<16xi32>
        %rem3A_244 = arith.remsi %add3A_226, %rem3A : vector<16xi32>
        %ne3A_245 = arith.constant 0 : i32
        %ne3A_246 = vector.broadcast %ne3A_245 : i32 to vector<16xi32>
        %ne3A_247 = arith.cmpi ne, %rem3A_244, %ne3A_246 : vector<16xi32>
        %and3A = arith.andi %ne3A_243, %ne3A_247 : vector<16xi1>
        %sub3A_248 = arith.constant 1 : i32
        %sub3A_249 = vector.broadcast %sub3A_248 : i32 to vector<16xi32>
        %sub3A_250 = arith.subi %div3A_227, %sub3A_249 : vector<16xi32>
        %select_n3A = arith.select %and3A, %sub3A_250, %div3A_227 : vector<16xi1>, vector<16xi32>
        %mul3A_251 = arith.constant 200 : i32
        %mul3A_252 = vector.broadcast %mul3A_251 : i32 to vector<16xi32>
        %mul3A_253 = arith.muli %select_n3A, %mul3A_252 : vector<16xi32>
        %sub3A_254 = arith.subi %add3A_226, %mul3A_253 : vector<16xi32>
        %mul3A_255 = arith.constant 16 : i32
        %mul3A_256 = arith.muli %add3A_222, %mul3A_255 : i32
        %get3A = arith.index_cast %mul3A_256 : i32 to index
        %get3A_257 = tpu.vector_load %arg9[%get3A] {strides = array<i32>} : memref<400xi32, #tpu.memory_space<vmem>>, vector<16xi32>,
        %broadcast_in_dim3A = arith.constant 0 : i32
        %broadcast_in_dim3A_258 = vector.broadcast %broadcast_in_dim3A : i32 to vector<16xi32>
        %gather3A = tpu.vector_load_idx %arg15[%get3A_257, %broadcast_in_dim3A_258] : memref<100x16xf32, #tpu.memory_space<vmem>>[vector<16xi32>, vector<16xi32>], vector<16xf32>,
        %broadcast_in_dim3A_259 = arith.constant 0 : i32
        %broadcast_in_dim3A_260 = vector.broadcast %broadcast_in_dim3A_259 : i32 to vector<16xi32>
        tpu.vector_store_idx %arg13[%select_n3A, %sub3A_254, %broadcast_in_dim3A_260], %gather3A : memref<2x200x16xf32, #tpu.memory_space<vmem>>[vector<16xi32>, vector<16xi32>, vector<16xi32>], vector<16xf32>,
        %broadcast_in_dim3A_261 = arith.constant 1 : i32
        %broadcast_in_dim3A_262 = vector.broadcast %broadcast_in_dim3A_261 : i32 to vector<16xi32>
        %gather3A_263 = tpu.vector_load_idx %arg15[%get3A_257, %broadcast_in_dim3A_262] : memref<100x16xf32, #tpu.memory_space<vmem>>[vector<16xi32>, vector<16xi32>], vector<16xf32>,
        %broadcast_in_dim3A_264 = arith.constant 1 : i32
        %broadcast_in_dim3A_265 = vector.broadcast %broadcast_in_dim3A_264 : i32 to vector<16xi32>
        tpu.vector_store_idx %arg13[%select_n3A, %sub3A_254, %broadcast_in_dim3A_265], %gather3A_263 : memref<2x200x16xf32, #tpu.memory_space<vmem>>[vector<16xi32>, vector<16xi32>, vector<16xi32>], vector<16xf32>,
        %broadcast_in_dim3A_266 = arith.constant 2 : i32
        %broadcast_in_dim3A_267 = vector.broadcast %broadcast_in_dim3A_266 : i32 to vector<16xi32>
        %gather3A_268 = tpu.vector_load_idx %arg15[%get3A_257, %broadcast_in_dim3A_267] : memref<100x16xf32, #tpu.memory_space<vmem>>[vector<16xi32>, vector<16xi32>], vector<16xf32>,
        %broadcast_in_dim3A_269 = arith.constant 2 : i32
        %broadcast_in_dim3A_270 = vector.broadcast %broadcast_in_dim3A_269 : i32 to vector<16xi32>
        tpu.vector_store_idx %arg13[%select_n3A, %sub3A_254, %broadcast_in_dim3A_270], %gather3A_268 : memref<2x200x16xf32, #tpu.memory_space<vmem>>[vector<16xi32>, vector<16xi32>, vector<16xi32>], vector<16xf32>,
        %broadcast_in_dim3A_271 = arith.constant 3 : i32
        %broadcast_in_dim3A_272 = vector.broadcast %broadcast_in_dim3A_271 : i32 to vector<16xi32>
        %gather3A_273 = tpu.vector_load_idx %arg15[%get3A_257, %broadcast_in_dim3A_272] : memref<100x16xf32, #tpu.memory_space<vmem>>[vector<16xi32>, vector<16xi32>], vector<16xf32>,
        %broadcast_in_dim3A_274 = arith.constant 3 : i32
        %broadcast_in_dim3A_275 = vector.broadcast %broadcast_in_dim3A_274 : i32 to vector<16xi32>
        tpu.vector_store_idx %arg13[%select_n3A, %sub3A_254, %broadcast_in_dim3A_275], %gather3A_273 : memref<2x200x16xf32, #tpu.memory_space<vmem>>[vector<16xi32>, vector<16xi32>, vector<16xi32>], vector<16xf32>,
        %broadcast_in_dim3A_276 = arith.constant 4 : i32
        %broadcast_in_dim3A_277 = vector.broadcast %broadcast_in_dim3A_276 : i32 to vector<16xi32>
        %gather3A_278 = tpu.vector_load_idx %arg15[%get3A_257, %broadcast_in_dim3A_277] : memref<100x16xf32, #tpu.memory_space<vmem>>[vector<16xi32>, vector<16xi32>], vector<16xf32>,
        %broadcast_in_dim3A_279 = arith.constant 4 : i32
        %broadcast_in_dim3A_280 = vector.broadcast %broadcast_in_dim3A_279 : i32 to vector<16xi32>
        tpu.vector_store_idx %arg13[%select_n3A, %sub3A_254, %broadcast_in_dim3A_280], %gather3A_278 : memref<2x200x16xf32, #tpu.memory_space<vmem>>[vector<16xi32>, vector<16xi32>, vector<16xi32>], vector<16xf32>,
        %broadcast_in_dim3A_281 = arith.constant 5 : i32
        %broadcast_in_dim3A_282 = vector.broadcast %broadcast_in_dim3A_281 : i32 to vector<16xi32>
        %gather3A_283 = tpu.vector_load_idx %arg15[%get3A_257, %broadcast_in_dim3A_282] : memref<100x16xf32, #tpu.memory_space<vmem>>[vector<16xi32>, vector<16xi32>], vector<16xf32>,
        %broadcast_in_dim3A_284 = arith.constant 5 : i32
        %broadcast_in_dim3A_285 = vector.broadcast %broadcast_in_dim3A_284 : i32 to vector<16xi32>
        tpu.vector_store_idx %arg13[%select_n3A, %sub3A_254, %broadcast_in_dim3A_285], %gather3A_283 : memref<2x200x16xf32, #tpu.memory_space<vmem>>[vector<16xi32>, vector<16xi32>, vector<16xi32>], vector<16xf32>,
        %broadcast_in_dim3A_286 = arith.constant 6 : i32
        %broadcast_in_dim3A_287 = vector.broadcast %broadcast_in_dim3A_286 : i32 to vector<16xi32>
        %gather3A_288 = tpu.vector_load_idx %arg15[%get3A_257, %broadcast_in_dim3A_287] : memref<100x16xf32, #tpu.memory_space<vmem>>[vector<16xi32>, vector<16xi32>], vector<16xf32>,
        %broadcast_in_dim3A_289 = arith.constant 6 : i32
        %broadcast_in_dim3A_290 = vector.broadcast %broadcast_in_dim3A_289 : i32 to vector<16xi32>
        tpu.vector_store_idx %arg13[%select_n3A, %sub3A_254, %broadcast_in_dim3A_290], %gather3A_288 : memref<2x200x16xf32, #tpu.memory_space<vmem>>[vector<16xi32>, vector<16xi32>, vector<16xi32>], vector<16xf32>,
        %broadcast_in_dim3A_291 = arith.constant 7 : i32
        %broadcast_in_dim3A_292 = vector.broadcast %broadcast_in_dim3A_291 : i32 to vector<16xi32>
        %gather3A_293 = tpu.vector_load_idx %arg15[%get3A_257, %broadcast_in_dim3A_292] : memref<100x16xf32, #tpu.memory_space<vmem>>[vector<16xi32>, vector<16xi32>], vector<16xf32>,
        %broadcast_in_dim3A_294 = arith.constant 7 : i32
        %broadcast_in_dim3A_295 = vector.broadcast %broadcast_in_dim3A_294 : i32 to vector<16xi32>
        tpu.vector_store_idx %arg13[%select_n3A, %sub3A_254, %broadcast_in_dim3A_295], %gather3A_293 : memref<2x200x16xf32, #tpu.memory_space<vmem>>[vector<16xi32>, vector<16xi32>, vector<16xi32>], vector<16xf32>,
        %broadcast_in_dim3A_296 = arith.constant 8 : i32
        %broadcast_in_dim3A_297 = vector.broadcast %broadcast_in_dim3A_296 : i32 to vector<16xi32>
        %gather3A_298 = tpu.vector_load_idx %arg15[%get3A_257, %broadcast_in_dim3A_297] : memref<100x16xf32, #tpu.memory_space<vmem>>[vector<16xi32>, vector<16xi32>], vector<16xf32>,
        %broadcast_in_dim3A_299 = arith.constant 8 : i32
        %broadcast_in_dim3A_300 = vector.broadcast %broadcast_in_dim3A_299 : i32 to vector<16xi32>
        tpu.vector_store_idx %arg13[%select_n3A, %sub3A_254, %broadcast_in_dim3A_300], %gather3A_298 : memref<2x200x16xf32, #tpu.memory_space<vmem>>[vector<16xi32>, vector<16xi32>, vector<16xi32>], vector<16xf32>,
        %broadcast_in_dim3A_301 = arith.constant 9 : i32
        %broadcast_in_dim3A_302 = vector.broadcast %broadcast_in_dim3A_301 : i32 to vector<16xi32>
        %gather3A_303 = tpu.vector_load_idx %arg15[%get3A_257, %broadcast_in_dim3A_302] : memref<100x16xf32, #tpu.memory_space<vmem>>[vector<16xi32>, vector<16xi32>], vector<16xf32>,
        %broadcast_in_dim3A_304 = arith.constant 9 : i32
        %broadcast_in_dim3A_305 = vector.broadcast %broadcast_in_dim3A_304 : i32 to vector<16xi32>
        tpu.vector_store_idx %arg13[%select_n3A, %sub3A_254, %broadcast_in_dim3A_305], %gather3A_303 : memref<2x200x16xf32, #tpu.memory_space<vmem>>[vector<16xi32>, vector<16xi32>, vector<16xi32>], vector<16xf32>,
        %broadcast_in_dim3A_306 = arith.constant 10 : i32
        %broadcast_in_dim3A_307 = vector.broadcast %broadcast_in_dim3A_306 : i32 to vector<16xi32>
        %gather3A_308 = tpu.vector_load_idx %arg15[%get3A_257, %broadcast_in_dim3A_307] : memref<100x16xf32, #tpu.memory_space<vmem>>[vector<16xi32>, vector<16xi32>], vector<16xf32>,
        %broadcast_in_dim3A_309 = arith.constant 10 : i32
        %broadcast_in_dim3A_310 = vector.broadcast %broadcast_in_dim3A_309 : i32 to vector<16xi32>
        tpu.vector_store_idx %arg13[%select_n3A, %sub3A_254, %broadcast_in_dim3A_310], %gather3A_308 : memref<2x200x16xf32, #tpu.memory_space<vmem>>[vector<16xi32>, vector<16xi32>, vector<16xi32>], vector<16xf32>,
        %broadcast_in_dim3A_311 = arith.constant 11 : i32
        %broadcast_in_dim3A_312 = vector.broadcast %broadcast_in_dim3A_311 : i32 to vector<16xi32>
        %gather3A_313 = tpu.vector_load_idx %arg15[%get3A_257, %broadcast_in_dim3A_312] : memref<100x16xf32, #tpu.memory_space<vmem>>[vector<16xi32>, vector<16xi32>], vector<16xf32>,
        %broadcast_in_dim3A_314 = arith.constant 11 : i32
        %broadcast_in_dim3A_315 = vector.broadcast %broadcast_in_dim3A_314 : i32 to vector<16xi32>
        tpu.vector_store_idx %arg13[%select_n3A, %sub3A_254, %broadcast_in_dim3A_315], %gather3A_313 : memref<2x200x16xf32, #tpu.memory_space<vmem>>[vector<16xi32>, vector<16xi32>, vector<16xi32>], vector<16xf32>,
        %broadcast_in_dim3A_316 = arith.constant 12 : i32
        %broadcast_in_dim3A_317 = vector.broadcast %broadcast_in_dim3A_316 : i32 to vector<16xi32>
        %gather3A_318 = tpu.vector_load_idx %arg15[%get3A_257, %broadcast_in_dim3A_317] : memref<100x16xf32, #tpu.memory_space<vmem>>[vector<16xi32>, vector<16xi32>], vector<16xf32>,
        %broadcast_in_dim3A_319 = arith.constant 12 : i32
        %broadcast_in_dim3A_320 = vector.broadcast %broadcast_in_dim3A_319 : i32 to vector<16xi32>
        tpu.vector_store_idx %arg13[%select_n3A, %sub3A_254, %broadcast_in_dim3A_320], %gather3A_318 : memref<2x200x16xf32, #tpu.memory_space<vmem>>[vector<16xi32>, vector<16xi32>, vector<16xi32>], vector<16xf32>,
        %broadcast_in_dim3A_321 = arith.constant 13 : i32
        %broadcast_in_dim3A_322 = vector.broadcast %broadcast_in_dim3A_321 : i32 to vector<16xi32>
        %gather3A_323 = tpu.vector_load_idx %arg15[%get3A_257, %broadcast_in_dim3A_322] : memref<100x16xf32, #tpu.memory_space<vmem>>[vector<16xi32>, vector<16xi32>], vector<16xf32>,
        %broadcast_in_dim3A_324 = arith.constant 13 : i32
        %broadcast_in_dim3A_325 = vector.broadcast %broadcast_in_dim3A_324 : i32 to vector<16xi32>
        tpu.vector_store_idx %arg13[%select_n3A, %sub3A_254, %broadcast_in_dim3A_325], %gather3A_323 : memref<2x200x16xf32, #tpu.memory_space<vmem>>[vector<16xi32>, vector<16xi32>, vector<16xi32>], vector<16xf32>,
        %broadcast_in_dim3A_326 = arith.constant 14 : i32
        %broadcast_in_dim3A_327 = vector.broadcast %broadcast_in_dim3A_326 : i32 to vector<16xi32>
        %gather3A_328 = tpu.vector_load_idx %arg15[%get3A_257, %broadcast_in_dim3A_327] : memref<100x16xf32, #tpu.memory_space<vmem>>[vector<16xi32>, vector<16xi32>], vector<16xf32>,
        %broadcast_in_dim3A_329 = arith.constant 14 : i32
        %broadcast_in_dim3A_330 = vector.broadcast %broadcast_in_dim3A_329 : i32 to vector<16xi32>
        tpu.vector_store_idx %arg13[%select_n3A, %sub3A_254, %broadcast_in_dim3A_330], %gather3A_328 : memref<2x200x16xf32, #tpu.memory_space<vmem>>[vector<16xi32>, vector<16xi32>, vector<16xi32>], vector<16xf32>,
        %broadcast_in_dim3A_331 = arith.constant 15 : i32
        %broadcast_in_dim3A_332 = vector.broadcast %broadcast_in_dim3A_331 : i32 to vector<16xi32>
        %gather3A_333 = tpu.vector_load_idx %arg15[%get3A_257, %broadcast_in_dim3A_332] : memref<100x16xf32, #tpu.memory_space<vmem>>[vector<16xi32>, vector<16xi32>], vector<16xf32>,
        %broadcast_in_dim3A_334 = arith.constant 15 : i32
        %broadcast_in_dim3A_335 = vector.broadcast %broadcast_in_dim3A_334 : i32 to vector<16xi32>
        tpu.vector_store_idx %arg13[%select_n3A, %sub3A_254, %broadcast_in_dim3A_335], %gather3A_333 : memref<2x200x16xf32, #tpu.memory_space<vmem>>[vector<16xi32>, vector<16xi32>, vector<16xi32>], vector<16xf32>,
      }
      %scan3A_118 = arith.constant 25 : i32
      %ge3A_119 = arith.constant 1 : i32
      %ge3A_120 = arith.cmpi sge, %add3A_63, %ge3A_119 : i32
      %convert_element_type3A_121 = arith.extui %ge3A_120 : i1 to i32
      %cond3A_122 = arith.constant 0 : i32
      %cond3A_123 = arith.cmpi ne, %convert_element_type3A_121, %cond3A_122 : i32
      scf.if %cond3A_123 {
        %dma_wait3A_218 = arith.constant 0 : i32
        %dma_wait3A_219 = arith.constant 0 : i32
        %dma_wait3A_220 = tpu.memref_slice %arg6[%mul3A_6, %dma_wait3A_218, %dma_wait3A_219] : memref<4096x200x128xf32, #tpu.memory_space<hbm>> -> memref<2x200x64xf32, #tpu.memory_space<hbm>>
        %dma_wait3A_221 = arith.constant 0 : i32
        %dma_wait3A_222 = arith.constant 0 : i32
        %dma_wait3A_223 = tpu.memref_slice %arg6[%mul3A_6, %dma_wait3A_221, %dma_wait3A_222] : memref<4096x200x128xf32, #tpu.memory_space<hbm>> -> memref<2x200x64xf32, #tpu.memory_space<hbm>>
        tpu.wait_dma2 semaphore(%arg19 : memref<!tpu.dma_semaphore, #tpu.memory_space<semaphore_mem>>) src(%dma_wait3A_223 : memref<2x200x64xf32, #tpu.memory_space<hbm>>) dst(%arg12 : memref<2x200x64xf32, #tpu.memory_space<vmem>>)
        %sub3A_224 = arith.constant 1 : i32
        %sub3A_225 = arith.subi %add3A_67, %sub3A_224 : i32
        %mul3A_226 = arith.constant 2 : i32
        %mul3A_227 = arith.muli %sub3A_225, %mul3A_226 : i32
        %add3A_228 = arith.addi %mul3A_6, %mul3A_227 : i32
        %dma_start3A_229 = arith.constant 0 : i32
        %dma_start3A_230 = arith.constant 0 : i32
        %dma_start3A_231 = tpu.memref_slice %arg6[%add3A_228, %dma_start3A_229, %dma_start3A_230] : memref<4096x200x128xf32, #tpu.memory_space<hbm>> -> memref<2x200x64xf32, #tpu.memory_space<hbm>>
        %dma_start3A_232 = arith.constant 0 : i32
        %dma_start3A_233 = arith.constant 0 : i32
        %dma_start3A_234 = tpu.memref_slice %arg6[%add3A_228, %dma_start3A_232, %dma_start3A_233] : memref<4096x200x128xf32, #tpu.memory_space<hbm>> -> memref<2x200x64xf32, #tpu.memory_space<hbm>>
        tpu.enqueue_dma source(%arg12 : memref<2x200x64xf32, #tpu.memory_space<vmem>>) target(%dma_start3A_234 : memref<2x200x64xf32, #tpu.memory_space<hbm>>) target_semaphore(%arg21 : memref<!tpu.dma_semaphore, #tpu.memory_space<semaphore_mem>>)
        %dma_start3A_235 = arith.constant 0 : i32
        %dma_start3A_236 = arith.constant 64 : i32
        %dma_start3A_237 = tpu.memref_slice %arg6[%add3A_228, %dma_start3A_235, %dma_start3A_236] : memref<4096x200x128xf32, #tpu.memory_space<hbm>> -> memref<2x200x16xf32, #tpu.memory_space<hbm>>
        %dma_start3A_238 = arith.constant 0 : i32
        %dma_start3A_239 = arith.constant 64 : i32
        %dma_start3A_240 = tpu.memref_slice %arg6[%add3A_228, %dma_start3A_238, %dma_start3A_239] : memref<4096x200x128xf32, #tpu.memory_space<hbm>> -> memref<2x200x16xf32, #tpu.memory_space<hbm>>
        tpu.enqueue_dma source(%arg14 : memref<2x200x16xf32, #tpu.memory_space<vmem>>) target(%dma_start3A_240 : memref<2x200x16xf32, #tpu.memory_space<hbm>>) target_semaphore(%arg21 : memref<!tpu.dma_semaphore, #tpu.memory_space<semaphore_mem>>)
      } else {
      }
      %add3A_124 = arith.constant 1 : i32
      %add3A_125 = arith.addi %add3A_67, %add3A_124 : i32
      %mul3A_126 = arith.constant 400 : i32
      %mul3A_127 = arith.muli %add3A_125, %mul3A_126 : i32
      %add3A_128 = arith.addi %mul3A_4, %mul3A_127 : i32
      %dma_start3A_129 = tpu.memref_slice %arg4[%add3A_128] : memref<819200xi32, #tpu.memory_space<hbm>> -> memref<400xi32, #tpu.memory_space<hbm>>
      %dma_start3A_130 = tpu.memref_slice %arg4[%add3A_128] : memref<819200xi32, #tpu.memory_space<hbm>> -> memref<400xi32, #tpu.memory_space<hbm>>
      tpu.enqueue_dma source(%dma_start3A_130 : memref<400xi32, #tpu.memory_space<hbm>>) target(%arg8 : memref<400xi32, #tpu.memory_space<vmem>>) target_semaphore(%arg17 : memref<!tpu.dma_semaphore, #tpu.memory_space<semaphore_mem>>)
      %dma_start3A_131 = tpu.memref_slice %arg5[%add3A_128] : memref<819200xi32, #tpu.memory_space<hbm>> -> memref<400xi32, #tpu.memory_space<hbm>>
      %dma_start3A_132 = tpu.memref_slice %arg5[%add3A_128] : memref<819200xi32, #tpu.memory_space<hbm>> -> memref<400xi32, #tpu.memory_space<hbm>>
      tpu.enqueue_dma source(%dma_start3A_132 : memref<400xi32, #tpu.memory_space<hbm>>) target(%arg10 : memref<400xi32, #tpu.memory_space<vmem>>) target_semaphore(%arg17 : memref<!tpu.dma_semaphore, #tpu.memory_space<semaphore_mem>>)
      %mul3A_133 = arith.constant 2 : i32
      %mul3A_134 = arith.muli %add3A_63, %mul3A_133 : i32
      %add3A_135 = arith.constant 1 : i32
      %add3A_136 = arith.addi %mul3A_134, %add3A_135 : i32
      %dma_wait3A_137 = tpu.memref_slice %arg4[%mul3A_4] : memref<819200xi32, #tpu.memory_space<hbm>> -> memref<400xi32, #tpu.memory_space<hbm>>
      %dma_wait3A_138 = tpu.memref_slice %arg4[%mul3A_4] : memref<819200xi32, #tpu.memory_space<hbm>> -> memref<400xi32, #tpu.memory_space<hbm>>
      tpu.wait_dma2 semaphore(%arg17 : memref<!tpu.dma_semaphore, #tpu.memory_space<semaphore_mem>>) src(%dma_wait3A_138 : memref<400xi32, #tpu.memory_space<hbm>>) dst(%arg8 : memref<400xi32, #tpu.memory_space<vmem>>)
      %dma_wait3A_139 = tpu.memref_slice %arg5[%mul3A_4] : memref<819200xi32, #tpu.memory_space<hbm>> -> memref<400xi32, #tpu.memory_space<hbm>>
      %dma_wait3A_140 = tpu.memref_slice %arg5[%mul3A_4] : memref<819200xi32, #tpu.memory_space<hbm>> -> memref<400xi32, #tpu.memory_space<hbm>>
      tpu.wait_dma2 semaphore(%arg17 : memref<!tpu.dma_semaphore, #tpu.memory_space<semaphore_mem>>) src(%dma_wait3A_140 : memref<400xi32, #tpu.memory_space<hbm>>) dst(%arg10 : memref<400xi32, #tpu.memory_space<vmem>>)
      %ge3A_141 = arith.constant 1 : i32
      %ge3A_142 = arith.cmpi sge, %add3A_63, %ge3A_141 : i32
      %convert_element_type3A_143 = arith.extui %ge3A_142 : i1 to i32
      %cond3A_144 = arith.constant 0 : i32
      %cond3A_145 = arith.cmpi ne, %convert_element_type3A_143, %cond3A_144 : i32
      scf.if %cond3A_145 {
        %dma_wait3A_218 = arith.constant 0 : i32
        %dma_wait3A_219 = arith.constant 0 : i32
        %dma_wait3A_220 = tpu.memref_slice %arg6[%mul3A_6, %dma_wait3A_218, %dma_wait3A_219] : memref<4096x200x128xf32, #tpu.memory_space<hbm>> -> memref<2x200x64xf32, #tpu.memory_space<hbm>>
        %dma_wait3A_221 = arith.constant 0 : i32
        %dma_wait3A_222 = arith.constant 0 : i32
        %dma_wait3A_223 = tpu.memref_slice %arg6[%mul3A_6, %dma_wait3A_221, %dma_wait3A_222] : memref<4096x200x128xf32, #tpu.memory_space<hbm>> -> memref<2x200x64xf32, #tpu.memory_space<hbm>>
        tpu.wait_dma2 semaphore(%arg21 : memref<!tpu.dma_semaphore, #tpu.memory_space<semaphore_mem>>) src(%arg12 : memref<2x200x64xf32, #tpu.memory_space<vmem>>) dst(%dma_wait3A_223 : memref<2x200x64xf32, #tpu.memory_space<hbm>>)
        %dma_wait3A_224 = arith.constant 0 : i32
        %dma_wait3A_225 = arith.constant 64 : i32
        %dma_wait3A_226 = tpu.memref_slice %arg6[%mul3A_6, %dma_wait3A_224, %dma_wait3A_225] : memref<4096x200x128xf32, #tpu.memory_space<hbm>> -> memref<2x200x16xf32, #tpu.memory_space<hbm>>
        %dma_wait3A_227 = arith.constant 0 : i32
        %dma_wait3A_228 = arith.constant 64 : i32
        %dma_wait3A_229 = tpu.memref_slice %arg6[%mul3A_6, %dma_wait3A_227, %dma_wait3A_228] : memref<4096x200x128xf32, #tpu.memory_space<hbm>> -> memref<2x200x16xf32, #tpu.memory_space<hbm>>
        tpu.wait_dma2 semaphore(%arg21 : memref<!tpu.dma_semaphore, #tpu.memory_space<semaphore_mem>>) src(%arg14 : memref<2x200x16xf32, #tpu.memory_space<vmem>>) dst(%dma_wait3A_229 : memref<2x200x16xf32, #tpu.memory_space<hbm>>)
      } else {
      }
      %dma_start3A_146 = arith.constant 0 : i32
      %dma_start3A_147 = arith.constant 0 : i32
      %dma_start3A_148 = arith.constant 0 : i32
      %dma_start3A_149 = tpu.memref_slice %arg12[%dma_start3A_146, %dma_start3A_147, %dma_start3A_148] : memref<2x200x64xf32, #tpu.memory_space<vmem>> -> memref<1x128x64xf32, #tpu.memory_space<vmem>>
      %dma_start3A_150 = tpu.memref_squeeze %dma_start3A_149 : memref<1x128x64xf32, #tpu.memory_space<vmem>> -> memref<128x64xf32, #tpu.memory_space<vmem>>
      %dma_start3A_151 = arith.constant 0 : i32
      %dma_start3A_152 = tpu.memref_slice %arg8[%dma_start3A_151] : memref<400xi32, #tpu.memory_space<vmem>> -> memref<128xi32, #tpu.memory_space<vmem>>
      %dma_start3A_153 = arith.constant 0 : i32
      %dma_start3A_154 = arith.constant 0 : i32
      %dma_start3A_155 = tpu.memref_slice %arg2[%dma_start3A_153, %dma_start3A_154] : memref<1000000x64xf32, #tpu.memory_space<hbm>> -> memref<1000000x64xf32, #tpu.memory_space<hbm>>
      tpu.enqueue_indirect_dma source(%dma_start3A_155 : memref<1000000x64xf32, #tpu.memory_space<hbm>>) target(%dma_start3A_150 : memref<128x64xf32, #tpu.memory_space<vmem>>) offsets(%dma_start3A_152 : memref<128xi32, #tpu.memory_space<vmem>>) semaphore(%arg19 : memref<!tpu.dma_semaphore, #tpu.memory_space<semaphore_mem>>)
      %dma_start3A_156 = arith.constant 0 : i32
      %dma_start3A_157 = arith.constant 128 : i32
      %dma_start3A_158 = arith.constant 0 : i32
      %dma_start3A_159 = tpu.memref_slice %arg12[%dma_start3A_156, %dma_start3A_157, %dma_start3A_158] : memref<2x200x64xf32, #tpu.memory_space<vmem>> -> memref<1x72x64xf32, #tpu.memory_space<vmem>>
      %dma_start3A_160 = tpu.memref_squeeze %dma_start3A_159 : memref<1x72x64xf32, #tpu.memory_space<vmem>> -> memref<72x64xf32, #tpu.memory_space<vmem>>
      %dma_start3A_161 = arith.constant 128 : i32
      %dma_start3A_162 = tpu.memref_slice %arg8[%dma_start3A_161] : memref<400xi32, #tpu.memory_space<vmem>> -> memref<72xi32, #tpu.memory_space<vmem>>
      %dma_start3A_163 = arith.constant 0 : i32
      %dma_start3A_164 = arith.constant 0 : i32
      %dma_start3A_165 = tpu.memref_slice %arg2[%dma_start3A_163, %dma_start3A_164] : memref<1000000x64xf32, #tpu.memory_space<hbm>> -> memref<1000000x64xf32, #tpu.memory_space<hbm>>
      tpu.enqueue_indirect_dma source(%dma_start3A_165 : memref<1000000x64xf32, #tpu.memory_space<hbm>>) target(%dma_start3A_160 : memref<72x64xf32, #tpu.memory_space<vmem>>) offsets(%dma_start3A_162 : memref<72xi32, #tpu.memory_space<vmem>>) semaphore(%arg19 : memref<!tpu.dma_semaphore, #tpu.memory_space<semaphore_mem>>)
      %dma_start3A_166 = arith.constant 1 : i32
      %dma_start3A_167 = arith.constant 0 : i32
      %dma_start3A_168 = arith.constant 0 : i32
      %dma_start3A_169 = tpu.memref_slice %arg12[%dma_start3A_166, %dma_start3A_167, %dma_start3A_168] : memref<2x200x64xf32, #tpu.memory_space<vmem>> -> memref<1x128x64xf32, #tpu.memory_space<vmem>>
      %dma_start3A_170 = tpu.memref_squeeze %dma_start3A_169 : memref<1x128x64xf32, #tpu.memory_space<vmem>> -> memref<128x64xf32, #tpu.memory_space<vmem>>
      %dma_start3A_171 = arith.constant 200 : i32
      %dma_start3A_172 = tpu.memref_slice %arg8[%dma_start3A_171] : memref<400xi32, #tpu.memory_space<vmem>> -> memref<128xi32, #tpu.memory_space<vmem>>
      %dma_start3A_173 = arith.constant 0 : i32
      %dma_start3A_174 = arith.constant 0 : i32
      %dma_start3A_175 = tpu.memref_slice %arg2[%dma_start3A_173, %dma_start3A_174] : memref<1000000x64xf32, #tpu.memory_space<hbm>> -> memref<1000000x64xf32, #tpu.memory_space<hbm>>
      tpu.enqueue_indirect_dma source(%dma_start3A_175 : memref<1000000x64xf32, #tpu.memory_space<hbm>>) target(%dma_start3A_170 : memref<128x64xf32, #tpu.memory_space<vmem>>) offsets(%dma_start3A_172 : memref<128xi32, #tpu.memory_space<vmem>>) semaphore(%arg19 : memref<!tpu.dma_semaphore, #tpu.memory_space<semaphore_mem>>)
      %dma_start3A_176 = arith.constant 1 : i32
      %dma_start3A_177 = arith.constant 128 : i32
      %dma_start3A_178 = arith.constant 0 : i32
      %dma_start3A_179 = tpu.memref_slice %arg12[%dma_start3A_176, %dma_start3A_177, %dma_start3A_178] : memref<2x200x64xf32, #tpu.memory_space<vmem>> -> memref<1x72x64xf32, #tpu.memory_space<vmem>>
      %dma_start3A_180 = tpu.memref_squeeze %dma_start3A_179 : memref<1x72x64xf32, #tpu.memory_space<vmem>> -> memref<72x64xf32, #tpu.memory_space<vmem>>
      %dma_start3A_181 = arith.constant 328 : i32
      %dma_start3A_182 = tpu.memref_slice %arg8[%dma_start3A_181] : memref<400xi32, #tpu.memory_space<vmem>> -> memref<72xi32, #tpu.memory_space<vmem>>
      %dma_start3A_183 = arith.constant 0 : i32
      %dma_start3A_184 = arith.constant 0 : i32
      %dma_start3A_185 = tpu.memref_slice %arg2[%dma_start3A_183, %dma_start3A_184] : memref<1000000x64xf32, #tpu.memory_space<hbm>> -> memref<1000000x64xf32, #tpu.memory_space<hbm>>
      tpu.enqueue_indirect_dma source(%dma_start3A_185 : memref<1000000x64xf32, #tpu.memory_space<hbm>>) target(%dma_start3A_180 : memref<72x64xf32, #tpu.memory_space<vmem>>) offsets(%dma_start3A_182 : memref<72xi32, #tpu.memory_space<vmem>>) semaphore(%arg19 : memref<!tpu.dma_semaphore, #tpu.memory_space<semaphore_mem>>)
      %iota3A_186 = tpu.iota {dimensions = array<i32: 0>} : vector<16xi32>
      %scan3A_187 = arith.constant 0 : i32
      %scan3A_188 = arith.constant 25 : i32
      %scan3A_189 = arith.addi %scan3A_187, %scan3A_188 : i32
      %scan3A_190 = arith.constant 1 : i32
      scf.for %scan3A_218 = %scan3A_187 to %scan3A_189 step %scan3A_190  : i32 {
        %mul3A_219 = arith.constant 1 : i32
        %mul3A_220 = arith.muli %scan3A_218, %mul3A_219 : i32
        %add3A_221 = arith.constant 0 : i32
        %add3A_222 = arith.addi %add3A_221, %mul3A_220 : i32
        %mul3A_223 = arith.constant 16 : i32
        %mul3A_224 = arith.muli %add3A_222, %mul3A_223 : i32
        %add3A_225 = vector.broadcast %mul3A_224 : i32 to vector<16xi32>
        %add3A_226 = arith.addi %add3A_225, %iota3A_186 : vector<16xi32>
        %jit3A = arith.constant 200 : i32
        %div3A = vector.broadcast %jit3A : i32 to vector<16xi32>
        %div3A_227 = arith.divsi %add3A_226, %div3A : vector<16xi32>
        %sign3A = arith.constant 0 : i32
        %sign3A_228 = vector.broadcast %sign3A : i32 to vector<16xi32>
        %sign3A_229 = arith.cmpi sgt, %add3A_226, %sign3A_228 : vector<16xi32>
        %sign3A_230 = arith.extui %sign3A_229 : vector<16xi1> to vector<16xi32>
        %sign3A_231 = arith.constant 0 : i32
        %sign3A_232 = vector.broadcast %sign3A_231 : i32 to vector<16xi32>
        %sign3A_233 = arith.cmpi slt, %add3A_226, %sign3A_232 : vector<16xi32>
        %sign3A_234 = arith.extui %sign3A_233 : vector<16xi1> to vector<16xi32>
        %sign3A_235 = arith.subi %sign3A_230, %sign3A_234 : vector<16xi32>
        %sign3A_236 = arith.constant 0 : i32
        %sign3A_237 = arith.cmpi sgt, %jit3A, %sign3A_236 : i32
        %sign3A_238 = arith.extui %sign3A_237 : i1 to i32
        %sign3A_239 = arith.constant 0 : i32
        %sign3A_240 = arith.cmpi slt, %jit3A, %sign3A_239 : i32
        %sign3A_241 = arith.extui %sign3A_240 : i1 to i32
        %sign3A_242 = arith.subi %sign3A_238, %sign3A_241 : i32
        %ne3A = vector.broadcast %sign3A_242 : i32 to vector<16xi32>
        %ne3A_243 = arith.cmpi ne, %sign3A_235, %ne3A : vector<16xi32>
        %rem3A = vector.broadcast %jit3A : i32 to vector<16xi32>
        %rem3A_244 = arith.remsi %add3A_226, %rem3A : vector<16xi32>
        %ne3A_245 = arith.constant 0 : i32
        %ne3A_246 = vector.broadcast %ne3A_245 : i32 to vector<16xi32>
        %ne3A_247 = arith.cmpi ne, %rem3A_244, %ne3A_246 : vector<16xi32>
        %and3A = arith.andi %ne3A_243, %ne3A_247 : vector<16xi1>
        %sub3A_248 = arith.constant 1 : i32
        %sub3A_249 = vector.broadcast %sub3A_248 : i32 to vector<16xi32>
        %sub3A_250 = arith.subi %div3A_227, %sub3A_249 : vector<16xi32>
        %select_n3A = arith.select %and3A, %sub3A_250, %div3A_227 : vector<16xi1>, vector<16xi32>
        %mul3A_251 = arith.constant 200 : i32
        %mul3A_252 = vector.broadcast %mul3A_251 : i32 to vector<16xi32>
        %mul3A_253 = arith.muli %select_n3A, %mul3A_252 : vector<16xi32>
        %sub3A_254 = arith.subi %add3A_226, %mul3A_253 : vector<16xi32>
        %mul3A_255 = arith.constant 16 : i32
        %mul3A_256 = arith.muli %add3A_222, %mul3A_255 : i32
        %get3A = arith.index_cast %mul3A_256 : i32 to index
        %get3A_257 = tpu.vector_load %arg10[%get3A] {strides = array<i32>} : memref<400xi32, #tpu.memory_space<vmem>>, vector<16xi32>,
        %broadcast_in_dim3A = arith.constant 0 : i32
        %broadcast_in_dim3A_258 = vector.broadcast %broadcast_in_dim3A : i32 to vector<16xi32>
        %gather3A = tpu.vector_load_idx %arg15[%get3A_257, %broadcast_in_dim3A_258] : memref<100x16xf32, #tpu.memory_space<vmem>>[vector<16xi32>, vector<16xi32>], vector<16xf32>,
        %broadcast_in_dim3A_259 = arith.constant 0 : i32
        %broadcast_in_dim3A_260 = vector.broadcast %broadcast_in_dim3A_259 : i32 to vector<16xi32>
        tpu.vector_store_idx %arg14[%select_n3A, %sub3A_254, %broadcast_in_dim3A_260], %gather3A : memref<2x200x16xf32, #tpu.memory_space<vmem>>[vector<16xi32>, vector<16xi32>, vector<16xi32>], vector<16xf32>,
        %broadcast_in_dim3A_261 = arith.constant 1 : i32
        %broadcast_in_dim3A_262 = vector.broadcast %broadcast_in_dim3A_261 : i32 to vector<16xi32>
        %gather3A_263 = tpu.vector_load_idx %arg15[%get3A_257, %broadcast_in_dim3A_262] : memref<100x16xf32, #tpu.memory_space<vmem>>[vector<16xi32>, vector<16xi32>], vector<16xf32>,
        %broadcast_in_dim3A_264 = arith.constant 1 : i32
        %broadcast_in_dim3A_265 = vector.broadcast %broadcast_in_dim3A_264 : i32 to vector<16xi32>
        tpu.vector_store_idx %arg14[%select_n3A, %sub3A_254, %broadcast_in_dim3A_265], %gather3A_263 : memref<2x200x16xf32, #tpu.memory_space<vmem>>[vector<16xi32>, vector<16xi32>, vector<16xi32>], vector<16xf32>,
        %broadcast_in_dim3A_266 = arith.constant 2 : i32
        %broadcast_in_dim3A_267 = vector.broadcast %broadcast_in_dim3A_266 : i32 to vector<16xi32>
        %gather3A_268 = tpu.vector_load_idx %arg15[%get3A_257, %broadcast_in_dim3A_267] : memref<100x16xf32, #tpu.memory_space<vmem>>[vector<16xi32>, vector<16xi32>], vector<16xf32>,
        %broadcast_in_dim3A_269 = arith.constant 2 : i32
        %broadcast_in_dim3A_270 = vector.broadcast %broadcast_in_dim3A_269 : i32 to vector<16xi32>
        tpu.vector_store_idx %arg14[%select_n3A, %sub3A_254, %broadcast_in_dim3A_270], %gather3A_268 : memref<2x200x16xf32, #tpu.memory_space<vmem>>[vector<16xi32>, vector<16xi32>, vector<16xi32>], vector<16xf32>,
        %broadcast_in_dim3A_271 = arith.constant 3 : i32
        %broadcast_in_dim3A_272 = vector.broadcast %broadcast_in_dim3A_271 : i32 to vector<16xi32>
        %gather3A_273 = tpu.vector_load_idx %arg15[%get3A_257, %broadcast_in_dim3A_272] : memref<100x16xf32, #tpu.memory_space<vmem>>[vector<16xi32>, vector<16xi32>], vector<16xf32>,
        %broadcast_in_dim3A_274 = arith.constant 3 : i32
        %broadcast_in_dim3A_275 = vector.broadcast %broadcast_in_dim3A_274 : i32 to vector<16xi32>
        tpu.vector_store_idx %arg14[%select_n3A, %sub3A_254, %broadcast_in_dim3A_275], %gather3A_273 : memref<2x200x16xf32, #tpu.memory_space<vmem>>[vector<16xi32>, vector<16xi32>, vector<16xi32>], vector<16xf32>,
        %broadcast_in_dim3A_276 = arith.constant 4 : i32
        %broadcast_in_dim3A_277 = vector.broadcast %broadcast_in_dim3A_276 : i32 to vector<16xi32>
        %gather3A_278 = tpu.vector_load_idx %arg15[%get3A_257, %broadcast_in_dim3A_277] : memref<100x16xf32, #tpu.memory_space<vmem>>[vector<16xi32>, vector<16xi32>], vector<16xf32>,
        %broadcast_in_dim3A_279 = arith.constant 4 : i32
        %broadcast_in_dim3A_280 = vector.broadcast %broadcast_in_dim3A_279 : i32 to vector<16xi32>
        tpu.vector_store_idx %arg14[%select_n3A, %sub3A_254, %broadcast_in_dim3A_280], %gather3A_278 : memref<2x200x16xf32, #tpu.memory_space<vmem>>[vector<16xi32>, vector<16xi32>, vector<16xi32>], vector<16xf32>,
        %broadcast_in_dim3A_281 = arith.constant 5 : i32
        %broadcast_in_dim3A_282 = vector.broadcast %broadcast_in_dim3A_281 : i32 to vector<16xi32>
        %gather3A_283 = tpu.vector_load_idx %arg15[%get3A_257, %broadcast_in_dim3A_282] : memref<100x16xf32, #tpu.memory_space<vmem>>[vector<16xi32>, vector<16xi32>], vector<16xf32>,
        %broadcast_in_dim3A_284 = arith.constant 5 : i32
        %broadcast_in_dim3A_285 = vector.broadcast %broadcast_in_dim3A_284 : i32 to vector<16xi32>
        tpu.vector_store_idx %arg14[%select_n3A, %sub3A_254, %broadcast_in_dim3A_285], %gather3A_283 : memref<2x200x16xf32, #tpu.memory_space<vmem>>[vector<16xi32>, vector<16xi32>, vector<16xi32>], vector<16xf32>,
        %broadcast_in_dim3A_286 = arith.constant 6 : i32
        %broadcast_in_dim3A_287 = vector.broadcast %broadcast_in_dim3A_286 : i32 to vector<16xi32>
        %gather3A_288 = tpu.vector_load_idx %arg15[%get3A_257, %broadcast_in_dim3A_287] : memref<100x16xf32, #tpu.memory_space<vmem>>[vector<16xi32>, vector<16xi32>], vector<16xf32>,
        %broadcast_in_dim3A_289 = arith.constant 6 : i32
        %broadcast_in_dim3A_290 = vector.broadcast %broadcast_in_dim3A_289 : i32 to vector<16xi32>
        tpu.vector_store_idx %arg14[%select_n3A, %sub3A_254, %broadcast_in_dim3A_290], %gather3A_288 : memref<2x200x16xf32, #tpu.memory_space<vmem>>[vector<16xi32>, vector<16xi32>, vector<16xi32>], vector<16xf32>,
        %broadcast_in_dim3A_291 = arith.constant 7 : i32
        %broadcast_in_dim3A_292 = vector.broadcast %broadcast_in_dim3A_291 : i32 to vector<16xi32>
        %gather3A_293 = tpu.vector_load_idx %arg15[%get3A_257, %broadcast_in_dim3A_292] : memref<100x16xf32, #tpu.memory_space<vmem>>[vector<16xi32>, vector<16xi32>], vector<16xf32>,
        %broadcast_in_dim3A_294 = arith.constant 7 : i32
        %broadcast_in_dim3A_295 = vector.broadcast %broadcast_in_dim3A_294 : i32 to vector<16xi32>
        tpu.vector_store_idx %arg14[%select_n3A, %sub3A_254, %broadcast_in_dim3A_295], %gather3A_293 : memref<2x200x16xf32, #tpu.memory_space<vmem>>[vector<16xi32>, vector<16xi32>, vector<16xi32>], vector<16xf32>,
        %broadcast_in_dim3A_296 = arith.constant 8 : i32
        %broadcast_in_dim3A_297 = vector.broadcast %broadcast_in_dim3A_296 : i32 to vector<16xi32>
        %gather3A_298 = tpu.vector_load_idx %arg15[%get3A_257, %broadcast_in_dim3A_297] : memref<100x16xf32, #tpu.memory_space<vmem>>[vector<16xi32>, vector<16xi32>], vector<16xf32>,
        %broadcast_in_dim3A_299 = arith.constant 8 : i32
        %broadcast_in_dim3A_300 = vector.broadcast %broadcast_in_dim3A_299 : i32 to vector<16xi32>
        tpu.vector_store_idx %arg14[%select_n3A, %sub3A_254, %broadcast_in_dim3A_300], %gather3A_298 : memref<2x200x16xf32, #tpu.memory_space<vmem>>[vector<16xi32>, vector<16xi32>, vector<16xi32>], vector<16xf32>,
        %broadcast_in_dim3A_301 = arith.constant 9 : i32
        %broadcast_in_dim3A_302 = vector.broadcast %broadcast_in_dim3A_301 : i32 to vector<16xi32>
        %gather3A_303 = tpu.vector_load_idx %arg15[%get3A_257, %broadcast_in_dim3A_302] : memref<100x16xf32, #tpu.memory_space<vmem>>[vector<16xi32>, vector<16xi32>], vector<16xf32>,
        %broadcast_in_dim3A_304 = arith.constant 9 : i32
        %broadcast_in_dim3A_305 = vector.broadcast %broadcast_in_dim3A_304 : i32 to vector<16xi32>
        tpu.vector_store_idx %arg14[%select_n3A, %sub3A_254, %broadcast_in_dim3A_305], %gather3A_303 : memref<2x200x16xf32, #tpu.memory_space<vmem>>[vector<16xi32>, vector<16xi32>, vector<16xi32>], vector<16xf32>,
        %broadcast_in_dim3A_306 = arith.constant 10 : i32
        %broadcast_in_dim3A_307 = vector.broadcast %broadcast_in_dim3A_306 : i32 to vector<16xi32>
        %gather3A_308 = tpu.vector_load_idx %arg15[%get3A_257, %broadcast_in_dim3A_307] : memref<100x16xf32, #tpu.memory_space<vmem>>[vector<16xi32>, vector<16xi32>], vector<16xf32>,
        %broadcast_in_dim3A_309 = arith.constant 10 : i32
        %broadcast_in_dim3A_310 = vector.broadcast %broadcast_in_dim3A_309 : i32 to vector<16xi32>
        tpu.vector_store_idx %arg14[%select_n3A, %sub3A_254, %broadcast_in_dim3A_310], %gather3A_308 : memref<2x200x16xf32, #tpu.memory_space<vmem>>[vector<16xi32>, vector<16xi32>, vector<16xi32>], vector<16xf32>,
        %broadcast_in_dim3A_311 = arith.constant 11 : i32
        %broadcast_in_dim3A_312 = vector.broadcast %broadcast_in_dim3A_311 : i32 to vector<16xi32>
        %gather3A_313 = tpu.vector_load_idx %arg15[%get3A_257, %broadcast_in_dim3A_312] : memref<100x16xf32, #tpu.memory_space<vmem>>[vector<16xi32>, vector<16xi32>], vector<16xf32>,
        %broadcast_in_dim3A_314 = arith.constant 11 : i32
        %broadcast_in_dim3A_315 = vector.broadcast %broadcast_in_dim3A_314 : i32 to vector<16xi32>
        tpu.vector_store_idx %arg14[%select_n3A, %sub3A_254, %broadcast_in_dim3A_315], %gather3A_313 : memref<2x200x16xf32, #tpu.memory_space<vmem>>[vector<16xi32>, vector<16xi32>, vector<16xi32>], vector<16xf32>,
        %broadcast_in_dim3A_316 = arith.constant 12 : i32
        %broadcast_in_dim3A_317 = vector.broadcast %broadcast_in_dim3A_316 : i32 to vector<16xi32>
        %gather3A_318 = tpu.vector_load_idx %arg15[%get3A_257, %broadcast_in_dim3A_317] : memref<100x16xf32, #tpu.memory_space<vmem>>[vector<16xi32>, vector<16xi32>], vector<16xf32>,
        %broadcast_in_dim3A_319 = arith.constant 12 : i32
        %broadcast_in_dim3A_320 = vector.broadcast %broadcast_in_dim3A_319 : i32 to vector<16xi32>
        tpu.vector_store_idx %arg14[%select_n3A, %sub3A_254, %broadcast_in_dim3A_320], %gather3A_318 : memref<2x200x16xf32, #tpu.memory_space<vmem>>[vector<16xi32>, vector<16xi32>, vector<16xi32>], vector<16xf32>,
        %broadcast_in_dim3A_321 = arith.constant 13 : i32
        %broadcast_in_dim3A_322 = vector.broadcast %broadcast_in_dim3A_321 : i32 to vector<16xi32>
        %gather3A_323 = tpu.vector_load_idx %arg15[%get3A_257, %broadcast_in_dim3A_322] : memref<100x16xf32, #tpu.memory_space<vmem>>[vector<16xi32>, vector<16xi32>], vector<16xf32>,
        %broadcast_in_dim3A_324 = arith.constant 13 : i32
        %broadcast_in_dim3A_325 = vector.broadcast %broadcast_in_dim3A_324 : i32 to vector<16xi32>
        tpu.vector_store_idx %arg14[%select_n3A, %sub3A_254, %broadcast_in_dim3A_325], %gather3A_323 : memref<2x200x16xf32, #tpu.memory_space<vmem>>[vector<16xi32>, vector<16xi32>, vector<16xi32>], vector<16xf32>,
        %broadcast_in_dim3A_326 = arith.constant 14 : i32
        %broadcast_in_dim3A_327 = vector.broadcast %broadcast_in_dim3A_326 : i32 to vector<16xi32>
        %gather3A_328 = tpu.vector_load_idx %arg15[%get3A_257, %broadcast_in_dim3A_327] : memref<100x16xf32, #tpu.memory_space<vmem>>[vector<16xi32>, vector<16xi32>], vector<16xf32>,
        %broadcast_in_dim3A_329 = arith.constant 14 : i32
        %broadcast_in_dim3A_330 = vector.broadcast %broadcast_in_dim3A_329 : i32 to vector<16xi32>
        tpu.vector_store_idx %arg14[%select_n3A, %sub3A_254, %broadcast_in_dim3A_330], %gather3A_328 : memref<2x200x16xf32, #tpu.memory_space<vmem>>[vector<16xi32>, vector<16xi32>, vector<16xi32>], vector<16xf32>,
        %broadcast_in_dim3A_331 = arith.constant 15 : i32
        %broadcast_in_dim3A_332 = vector.broadcast %broadcast_in_dim3A_331 : i32 to vector<16xi32>
        %gather3A_333 = tpu.vector_load_idx %arg15[%get3A_257, %broadcast_in_dim3A_332] : memref<100x16xf32, #tpu.memory_space<vmem>>[vector<16xi32>, vector<16xi32>], vector<16xf32>,
        %broadcast_in_dim3A_334 = arith.constant 15 : i32
        %broadcast_in_dim3A_335 = vector.broadcast %broadcast_in_dim3A_334 : i32 to vector<16xi32>
        tpu.vector_store_idx %arg14[%select_n3A, %sub3A_254, %broadcast_in_dim3A_335], %gather3A_333 : memref<2x200x16xf32, #tpu.memory_space<vmem>>[vector<16xi32>, vector<16xi32>, vector<16xi32>], vector<16xf32>,
      }
      %scan3A_191 = arith.constant 25 : i32
      %dma_wait3A_192 = arith.constant 0 : i32
      %dma_wait3A_193 = arith.constant 0 : i32
      %dma_wait3A_194 = tpu.memref_slice %arg6[%mul3A_6, %dma_wait3A_192, %dma_wait3A_193] : memref<4096x200x128xf32, #tpu.memory_space<hbm>> -> memref<2x200x64xf32, #tpu.memory_space<hbm>>
      %dma_wait3A_195 = arith.constant 0 : i32
      %dma_wait3A_196 = arith.constant 0 : i32
      %dma_wait3A_197 = tpu.memref_slice %arg6[%mul3A_6, %dma_wait3A_195, %dma_wait3A_196] : memref<4096x200x128xf32, #tpu.memory_space<hbm>> -> memref<2x200x64xf32, #tpu.memory_space<hbm>>
      tpu.wait_dma2 semaphore(%arg18 : memref<!tpu.dma_semaphore, #tpu.memory_space<semaphore_mem>>) src(%dma_wait3A_197 : memref<2x200x64xf32, #tpu.memory_space<hbm>>) dst(%arg11 : memref<2x200x64xf32, #tpu.memory_space<vmem>>)
      %sub3A = arith.constant 1 : i32
      %sub3A_198 = arith.subi %add3A_136, %sub3A : i32
      %mul3A_199 = arith.constant 2 : i32
      %mul3A_200 = arith.muli %sub3A_198, %mul3A_199 : i32
      %add3A_201 = arith.addi %mul3A_6, %mul3A_200 : i32
      %dma_start3A_202 = arith.constant 0 : i32
      %dma_start3A_203 = arith.constant 0 : i32
      %dma_start3A_204 = tpu.memref_slice %arg6[%add3A_201, %dma_start3A_202, %dma_start3A_203] : memref<4096x200x128xf32, #tpu.memory_space<hbm>> -> memref<2x200x64xf32, #tpu.memory_space<hbm>>
      %dma_start3A_205 = arith.constant 0 : i32
      %dma_start3A_206 = arith.constant 0 : i32
      %dma_start3A_207 = tpu.memref_slice %arg6[%add3A_201, %dma_start3A_205, %dma_start3A_206] : memref<4096x200x128xf32, #tpu.memory_space<hbm>> -> memref<2x200x64xf32, #tpu.memory_space<hbm>>
      tpu.enqueue_dma source(%arg11 : memref<2x200x64xf32, #tpu.memory_space<vmem>>) target(%dma_start3A_207 : memref<2x200x64xf32, #tpu.memory_space<hbm>>) target_semaphore(%arg20 : memref<!tpu.dma_semaphore, #tpu.memory_space<semaphore_mem>>)
      %dma_start3A_208 = arith.constant 0 : i32
      %dma_start3A_209 = arith.constant 64 : i32
      %dma_start3A_210 = tpu.memref_slice %arg6[%add3A_201, %dma_start3A_208, %dma_start3A_209] : memref<4096x200x128xf32, #tpu.memory_space<hbm>> -> memref<2x200x16xf32, #tpu.memory_space<hbm>>
      %dma_start3A_211 = arith.constant 0 : i32
      %dma_start3A_212 = arith.constant 64 : i32
      %dma_start3A_213 = tpu.memref_slice %arg6[%add3A_201, %dma_start3A_211, %dma_start3A_212] : memref<4096x200x128xf32, #tpu.memory_space<hbm>> -> memref<2x200x16xf32, #tpu.memory_space<hbm>>
      tpu.enqueue_dma source(%arg13 : memref<2x200x16xf32, #tpu.memory_space<vmem>>) target(%dma_start3A_213 : memref<2x200x16xf32, #tpu.memory_space<hbm>>) target_semaphore(%arg20 : memref<!tpu.dma_semaphore, #tpu.memory_space<semaphore_mem>>)
      %lt3A = arith.constant 31 : i32
      %lt3A_214 = arith.cmpi slt, %add3A_63, %lt3A : i32
      %convert_element_type3A_215 = arith.extui %lt3A_214 : i1 to i32
      %cond3A_216 = arith.constant 0 : i32
      %cond3A_217 = arith.cmpi ne, %convert_element_type3A_215, %cond3A_216 : i32
      scf.if %cond3A_217 {
        %add3A_218 = arith.constant 1 : i32
        %add3A_219 = arith.addi %add3A_136, %add3A_218 : i32
        %mul3A_220 = arith.constant 400 : i32
        %mul3A_221 = arith.muli %add3A_219, %mul3A_220 : i32
        %add3A_222 = arith.addi %mul3A_4, %mul3A_221 : i32
        %dma_start3A_223 = tpu.memref_slice %arg4[%add3A_222] : memref<819200xi32, #tpu.memory_space<hbm>> -> memref<400xi32, #tpu.memory_space<hbm>>
        %dma_start3A_224 = tpu.memref_slice %arg4[%add3A_222] : memref<819200xi32, #tpu.memory_space<hbm>> -> memref<400xi32, #tpu.memory_space<hbm>>
        tpu.enqueue_dma source(%dma_start3A_224 : memref<400xi32, #tpu.memory_space<hbm>>) target(%arg7 : memref<400xi32, #tpu.memory_space<vmem>>) target_semaphore(%arg16 : memref<!tpu.dma_semaphore, #tpu.memory_space<semaphore_mem>>)
        %dma_start3A_225 = tpu.memref_slice %arg5[%add3A_222] : memref<819200xi32, #tpu.memory_space<hbm>> -> memref<400xi32, #tpu.memory_space<hbm>>
        %dma_start3A_226 = tpu.memref_slice %arg5[%add3A_222] : memref<819200xi32, #tpu.memory_space<hbm>> -> memref<400xi32, #tpu.memory_space<hbm>>
        tpu.enqueue_dma source(%dma_start3A_226 : memref<400xi32, #tpu.memory_space<hbm>>) target(%arg9 : memref<400xi32, #tpu.memory_space<vmem>>) target_semaphore(%arg16 : memref<!tpu.dma_semaphore, #tpu.memory_space<semaphore_mem>>)
      } else {
      }
    }
    %scan3A_15 = arith.constant 32 : i32
    %dma_wait3A = arith.constant 0 : i32
    %dma_wait3A_16 = arith.constant 0 : i32
    %dma_wait3A_17 = tpu.memref_slice %arg6[%mul3A_6, %dma_wait3A, %dma_wait3A_16] : memref<4096x200x128xf32, #tpu.memory_space<hbm>> -> memref<2x200x64xf32, #tpu.memory_space<hbm>>
    %dma_wait3A_18 = arith.constant 0 : i32
    %dma_wait3A_19 = arith.constant 0 : i32
    %dma_wait3A_20 = tpu.memref_slice %arg6[%mul3A_6, %dma_wait3A_18, %dma_wait3A_19] : memref<4096x200x128xf32, #tpu.memory_space<hbm>> -> memref<2x200x64xf32, #tpu.memory_space<hbm>>
    tpu.wait_dma2 semaphore(%arg19 : memref<!tpu.dma_semaphore, #tpu.memory_space<semaphore_mem>>) src(%dma_wait3A_20 : memref<2x200x64xf32, #tpu.memory_space<hbm>>) dst(%arg12 : memref<2x200x64xf32, #tpu.memory_space<vmem>>)
    %add3A_21 = arith.constant 126 : i32
    %add3A_22 = arith.addi %mul3A_6, %add3A_21 : i32
    %dma_start3A_23 = arith.constant 0 : i32
    %dma_start3A_24 = arith.constant 0 : i32
    %dma_start3A_25 = tpu.memref_slice %arg6[%add3A_22, %dma_start3A_23, %dma_start3A_24] : memref<4096x200x128xf32, #tpu.memory_space<hbm>> -> memref<2x200x64xf32, #tpu.memory_space<hbm>>
    %dma_start3A_26 = arith.constant 0 : i32
    %dma_start3A_27 = arith.constant 0 : i32
    %dma_start3A_28 = tpu.memref_slice %arg6[%add3A_22, %dma_start3A_26, %dma_start3A_27] : memref<4096x200x128xf32, #tpu.memory_space<hbm>> -> memref<2x200x64xf32, #tpu.memory_space<hbm>>
    tpu.enqueue_dma source(%arg12 : memref<2x200x64xf32, #tpu.memory_space<vmem>>) target(%dma_start3A_28 : memref<2x200x64xf32, #tpu.memory_space<hbm>>) target_semaphore(%arg21 : memref<!tpu.dma_semaphore, #tpu.memory_space<semaphore_mem>>)
    %dma_start3A_29 = arith.constant 0 : i32
    %dma_start3A_30 = arith.constant 64 : i32
    %dma_start3A_31 = tpu.memref_slice %arg6[%add3A_22, %dma_start3A_29, %dma_start3A_30] : memref<4096x200x128xf32, #tpu.memory_space<hbm>> -> memref<2x200x16xf32, #tpu.memory_space<hbm>>
    %dma_start3A_32 = arith.constant 0 : i32
    %dma_start3A_33 = arith.constant 64 : i32
    %dma_start3A_34 = tpu.memref_slice %arg6[%add3A_22, %dma_start3A_32, %dma_start3A_33] : memref<4096x200x128xf32, #tpu.memory_space<hbm>> -> memref<2x200x16xf32, #tpu.memory_space<hbm>>
    tpu.enqueue_dma source(%arg14 : memref<2x200x16xf32, #tpu.memory_space<vmem>>) target(%dma_start3A_34 : memref<2x200x16xf32, #tpu.memory_space<hbm>>) target_semaphore(%arg21 : memref<!tpu.dma_semaphore, #tpu.memory_space<semaphore_mem>>)
    %dma_wait3A_35 = arith.constant 0 : i32
    %dma_wait3A_36 = arith.constant 0 : i32
    %dma_wait3A_37 = tpu.memref_slice %arg6[%mul3A_6, %dma_wait3A_35, %dma_wait3A_36] : memref<4096x200x128xf32, #tpu.memory_space<hbm>> -> memref<2x200x64xf32, #tpu.memory_space<hbm>>
    %dma_wait3A_38 = arith.constant 0 : i32
    %dma_wait3A_39 = arith.constant 0 : i32
    %dma_wait3A_40 = tpu.memref_slice %arg6[%mul3A_6, %dma_wait3A_38, %dma_wait3A_39] : memref<4096x200x128xf32, #tpu.memory_space<hbm>> -> memref<2x200x64xf32, #tpu.memory_space<hbm>>
    tpu.wait_dma2 semaphore(%arg20 : memref<!tpu.dma_semaphore, #tpu.memory_space<semaphore_mem>>) src(%arg11 : memref<2x200x64xf32, #tpu.memory_space<vmem>>) dst(%dma_wait3A_40 : memref<2x200x64xf32, #tpu.memory_space<hbm>>)
    %dma_wait3A_41 = arith.constant 0 : i32
    %dma_wait3A_42 = arith.constant 64 : i32
    %dma_wait3A_43 = tpu.memref_slice %arg6[%mul3A_6, %dma_wait3A_41, %dma_wait3A_42] : memref<4096x200x128xf32, #tpu.memory_space<hbm>> -> memref<2x200x16xf32, #tpu.memory_space<hbm>>
    %dma_wait3A_44 = arith.constant 0 : i32
    %dma_wait3A_45 = arith.constant 64 : i32
    %dma_wait3A_46 = tpu.memref_slice %arg6[%mul3A_6, %dma_wait3A_44, %dma_wait3A_45] : memref<4096x200x128xf32, #tpu.memory_space<hbm>> -> memref<2x200x16xf32, #tpu.memory_space<hbm>>
    tpu.wait_dma2 semaphore(%arg20 : memref<!tpu.dma_semaphore, #tpu.memory_space<semaphore_mem>>) src(%arg13 : memref<2x200x16xf32, #tpu.memory_space<vmem>>) dst(%dma_wait3A_46 : memref<2x200x16xf32, #tpu.memory_space<hbm>>)
    %dma_wait3A_47 = arith.constant 0 : i32
    %dma_wait3A_48 = arith.constant 0 : i32
    %dma_wait3A_49 = tpu.memref_slice %arg6[%mul3A_6, %dma_wait3A_47, %dma_wait3A_48] : memref<4096x200x128xf32, #tpu.memory_space<hbm>> -> memref<2x200x64xf32, #tpu.memory_space<hbm>>
    %dma_wait3A_50 = arith.constant 0 : i32
    %dma_wait3A_51 = arith.constant 0 : i32
    %dma_wait3A_52 = tpu.memref_slice %arg6[%mul3A_6, %dma_wait3A_50, %dma_wait3A_51] : memref<4096x200x128xf32, #tpu.memory_space<hbm>> -> memref<2x200x64xf32, #tpu.memory_space<hbm>>
    tpu.wait_dma2 semaphore(%arg21 : memref<!tpu.dma_semaphore, #tpu.memory_space<semaphore_mem>>) src(%arg12 : memref<2x200x64xf32, #tpu.memory_space<vmem>>) dst(%dma_wait3A_52 : memref<2x200x64xf32, #tpu.memory_space<hbm>>)
    %dma_wait3A_53 = arith.constant 0 : i32
    %dma_wait3A_54 = arith.constant 64 : i32
    %dma_wait3A_55 = tpu.memref_slice %arg6[%mul3A_6, %dma_wait3A_53, %dma_wait3A_54] : memref<4096x200x128xf32, #tpu.memory_space<hbm>> -> memref<2x200x16xf32, #tpu.memory_space<hbm>>
    %dma_wait3A_56 = arith.constant 0 : i32
    %dma_wait3A_57 = arith.constant 64 : i32
    %dma_wait3A_58 = tpu.memref_slice %arg6[%mul3A_6, %dma_wait3A_56, %dma_wait3A_57] : memref<4096x200x128xf32, #tpu.memory_space<hbm>> -> memref<2x200x16xf32, #tpu.memory_space<hbm>>
    tpu.wait_dma2 semaphore(%arg21 : memref<!tpu.dma_semaphore, #tpu.memory_space<semaphore_mem>>) src(%arg14 : memref<2x200x16xf32, #tpu.memory_space<vmem>>) dst(%dma_wait3A_58 : memref<2x200x16xf32, #tpu.memory_space<hbm>>)
    return
  }
}

</mosaic_0001>

<sc_bundles>
// kernel: run.3.cloned.1.call-start
scs
__scs_entry_jumppad:
0x0: {  	(pc) =	sbr.rel $0x88, $3  }
0x1: {  	(tag) =	ssettag $0x0;
	lr =	simm.s32 $0x1  }
0x2: {  	[smem:$0x3F9D] =	sst lr;
	_ =	strace $0xD0000000  }
0x3: {  	_ = 	snop  }
0x4: {  	_ = 	snop  }
0x5: {  	_ = 	snop  }
0x6: {  	_ = 	snop  }
0x7: {  	_ = 	snop  }
__scs_overlays_trampoline_lowered:
0x8: {  	[smem:$0x3FAC] =	sst s0  }
0x9: {  	[smem:$0x3FAD] =	sst s1  }
0xa: {  	[smem:$0x3FAE] =	sst s2  }
0xb: {  	[smem:$0x3FAF] =	sst s3  }
0xc: {  	[smem:$0x3FB0] =	sst s4  }
0xd: {  	[smem:$0x3FB1] =	sst s5  }
0xe: {  	[smem:$0x3FB2] =	sst s6  }
0xf: {  	[smem:$0x3FB3] =	sst s7  }
0x10: {  	[smem:$0x3FB4] =	sst s8  }
0x11: {  	[smem:$0x3FB5] =	sst s9;
	s0 =	simm.s32 @!p0 $0x0  }
0x12: {  	s1 =	sld [smem:$0x3F9B];
	s0 =	simm.s32 @p0 $0x1  }
0x13: {  	[smem:$0x3FB6] =	sst s0;
	s0 =	simm.s32 @!p1 $0x0  }
0x14: {  	s2 =	sld [smem:$0x3F9A];
	s0 =	simm.s32 @p1 $0x1  }
0x15: {  	[smem:$0x3FB7] =	sst s0;
	s0 =	simm.s32 @!p2 $0x0  }
0x16: {  	s3 =	sld [smem:$0x3FDB];
	s0 =	simm.s32 @p2 $0x1  }
0x17: {  	s4 =	simm.s32 $0x1BF5;
	[smem:$0x3FB9] =	sst s0  }
0x18: {  	s0 =	sld [smem:$0x3F9C];
	_ =	swait.ge [sflag:s4], $0x0  }
0x19: {  	s7 =	sld [smem:$0x3F9D]  }
0x1a: {  	s8 =	sadd.s32 $0xFFFFE003, lr  }
0x1b: {  	s9 =	sadd.s32 $0xFFFFFEF7, lr;
	s5 =	simm.s32 $0xFFFFFFFF;
	p2 =	slt.u32 s8, $0xFFFFF086  }
0x1c: {  	p1 =	slt.u32 s9, $0xF7A;
	s5 =	simm.s32 @!p2 $0x0  }
0x1d: {  	s5 =	simm.s32 @p1 $0x1;
	p0 =	seq.s32 s7, s2  }
0x1e: {  	s7 =	smul.u32 @!p0 $0xF7A, s2;
	p2 =	seq.s32 @!p0 s5, $0x0  }
0x1f: {  	s9 =	smul.u32 $0xF7A, s1;
	s8 =	simm.s32 @!p0 $0x1BF5;
	p2 =	por !p2, p0  }
0x20: {  	[sflag:s8] =	ssyncset.s32 @!p0 $0xFFFFF086;
	s6 =	sadd.s32 @!p0 s3, s7;
	s7 =	simm.s32 @!p0 $0x108  }
0x21: {  	s3 =	sadd.s32 s3, s9;
	s6 =	sadd.s32 @!p0 $0x88, s6;
	s7 =	simm.s32 @p2 $0x1082  }
0x22: {  	[simem:s7], [sflag:s8] =	dma.local @!p0 [hbm:s6], $0xF7A  }
0x23: {  	s9 =	sor.u32 $0xD0000000, s2;
	s6 =	simm.s32 $0x108;
	_ =	swait.ge @!p0 [sflag:s8], $0x0  }
0x24: {  	s3 =	sadd.s32 $0x88, s3;
	s6 =	simm.s32 @!p1 $0x1082;
	[sflag:s4] =	ssyncset.s32 $0xFFFFF086  }
0x25: {  	[simem:s6], [sflag:s4] =	dma.local [hbm:s3], $0xF7A  }
0x26: {  	[smem:$0x3F9D] =	sst s1;
	(tag) =	ssettag s2;
	_ =	strace s9  }
0x27: {  	s1 =	sld [smem:$0x3FAD]  }
0x28: {  	s2 =	sld [smem:$0x3FAE]  }
0x29: {  	s4 =	sld [smem:$0x3FB0]  }
0x2a: {  	p0 =	seq.s32 s5, $0x0;
	s5 =	sld [smem:$0x3FB1]  }
0x2b: {  	s6 =	sld [smem:$0x3FB2]  }
0x2c: {  	s7 =	sld [smem:$0x3FB3]  }
0x2d: {  	s3 =	simm.s32 $0x108;
	s8 =	sld [smem:$0x3FB4]  }
0x2e: {  	s3 =	simm.s32 @!p0 $0x1082;
	s9 =	sld [smem:$0x3FB5]  }
0x2f: {  	lr =	sadd.s32 s0, s3;
	s0 =	sld [smem:$0x3FAC]  }
0x30: {  	s3 =	sld [smem:$0x3FAF]  }
0x31: {  	[smem:$0x3FB8] =	sst s10  }
0x32: {  	s10 =	sld [smem:$0x3FB6];
	_ =	sdelay $0x3  }
0x33: {  	p0 =	seq.s32 s10, $0x1;
	s10 =	sld [smem:$0x3FB8];
	_ =	sdelay $0x3  }
0x34: {  	[smem:$0x3FB8] =	sst s10  }
0x35: {  	s10 =	sld [smem:$0x3FB7];
	_ =	sdelay $0x3  }
0x36: {  	p1 =	seq.s32 s10, $0x1;
	s10 =	sld [smem:$0x3FB8];
	_ =	sdelay $0x3  }
0x37: {  	[smem:$0x3FB8] =	sst s10  }
0x38: {  	s10 =	sld [smem:$0x3FB9]  }
0x39: {  	_ = 	snop;
	(pc) =	sbr.ind lr, $3  }
0x3a: {  	_ = 	snop  }
0x3b: {  	_ = 	snop  }
0x3c: {  	p2 =	seq.s32 s10, $0x1;
	s10 =	sld [smem:$0x3FB8]  }
0x3d: {  	_ =	shalt  }
0x3e: {  	_ =	shalt  }
0x3f: {  	_ =	shalt  }
0x40: {  	_ =	shalt  }
0x41: {  	_ =	shalt  }
0x42: {  	_ =	shalt  }
0x43: {  	_ =	shalt  }
0x44: {  	_ =	shalt  }
0x45: {  	_ =	shalt  }
0x46: {  	_ =	shalt  }
0x47: {  	_ =	shalt  }
0x48: {  	_ =	shalt  }
0x49: {  	_ =	shalt  }
0x4a: {  	_ =	shalt  }
0x4b: {  	_ =	shalt  }
0x4c: {  	_ =	shalt  }
0x4d: {  	_ =	shalt  }
0x4e: {  	_ =	shalt  }
0x4f: {  	_ =	shalt  }
0x50: {  	_ =	shalt  }
0x51: {  	_ =	shalt  }
0x52: {  	_ =	shalt  }
0x53: {  	_ =	shalt  }
0x54: {  	_ =	shalt  }
0x55: {  	_ =	shalt  }
0x56: {  	_ =	shalt  }
0x57: {  	_ =	shalt  }
0x58: {  	_ =	shalt  }
0x59: {  	_ =	shalt  }
0x5a: {  	_ =	shalt  }
0x5b: {  	_ =	shalt  }
0x5c: {  	_ =	shalt  }
0x5d: {  	_ =	shalt  }
0x5e: {  	_ =	shalt  }
0x5f: {  	_ =	shalt  }
0x60: {  	_ =	shalt  }
0x61: {  	_ =	shalt  }
0x62: {  	_ =	shalt  }
0x63: {  	_ =	shalt  }
0x64: {  	_ =	shalt  }
0x65: {  	_ =	shalt  }
0x66: {  	_ =	shalt  }
0x67: {  	_ =	shalt  }
0x68: {  	_ =	shalt  }
0x69: {  	_ =	shalt  }
0x6a: {  	_ =	shalt  }
0x6b: {  	_ =	shalt  }
0x6c: {  	_ =	shalt  }
0x6d: {  	_ =	shalt  }
0x6e: {  	_ =	shalt  }
0x6f: {  	_ =	shalt  }
0x70: {  	_ =	shalt  }
0x71: {  	_ =	shalt  }
0x72: {  	_ =	shalt  }
0x73: {  	_ =	shalt  }
0x74: {  	_ =	shalt  }
0x75: {  	_ =	shalt  }
0x76: {  	_ =	shalt  }
0x77: {  	_ =	shalt  }
0x78: {  	_ =	shalt  }
0x79: {  	_ =	shalt  }
0x7a: {  	_ =	shalt  }
0x7b: {  	_ =	shalt  }
0x7c: {  	_ =	shalt  }
0x7d: {  	_ =	shalt  }
0x7e: {  	_ =	shalt  }
0x7f: {  	_ =	shalt  }
0x80: {  	_ =	shalt  }
0x81: {  	_ =	shalt  }
0x82: {  	_ =	shalt  }
0x83: {  	_ =	shalt  }
0x84: {  	_ =	shalt  }
0x85: {  	_ =	shalt  }
0x86: {  	_ =	shalt  }
0x87: {  	_ =	shalt  }
.Lfunc_end0:
.L_simem_size_0:
called_computation_lowered:
.L_overlay_start_0:
0x88: {  	s2 =	sld [smem:$0x3FD9]  }
0x89: {  	s3 =	sld [smem:$0x3FFE];
	_ =	sdelay $0x1  }
0x8a: {  	s1 =	srdreg.scid  }
0x8b: {  	s0 =	sand.u32 $0x1, s1  }
0x8c: {  	s17 =	sshll.u32 s0, $0xA;
	s2 =	sadd.s32 s3, s2  }
0x8d: {  	s2 =	sadd.s32 s2, s17  }
0x8e: {  	[smem:$0x3FC4] =	sst s2  }
0x8f: {  	_ = 	snop  }
0x90: {  	s2 =	sld [smem:$0x3FC7]  }
0x91: {  	s18 =	sld [smem:$0x3FC6]  }
0x92: {  	s4 =	sld [smem:$0x3FD0];
	(tm) =	ssettm $0x1  }
0x93: {  	s5 =	sld [smem:$0x3FFB];
	_ =	sdelay $0x3  }
0x94: {  	_ =	strace s5  }
0x95: {  	s5 =	sld [smem:$0x3FFC];
	_ =	sdelay $0x3  }
0x96: {  	_ =	strace s5  }
0x97: {  	s5 =	sld [smem:$0x3FFD];
	_ =	sdelay $0x3  }
0x98: {  	_ =	strace s5  }
0x99: {  	_ =	strace $0x8FFFFFFF  }
0x9a: {  	s19 =	sld [smem:$0x3FDB];
	_ =	sdelay $0x1  }
0x9b: {  	s6 =	simm.s32 $_scs_section_size  }
0x9c: {  	s7 =	simm.s32 $_size__tile_overlayer_lowered;
	s8 =	simm.s32 $_tile_overlayer_lowered  }
0x9d: {  	s22 =	simm.s32 $0x1BFF;
	s21 =	sshll.u32 s8, $0x1;
	s5 =	sadd.s32 s6, s19  }
0x9e: {  	s9 =	simm.s32 $0x0;
	s20 =	sshll.u32 s7, $0x1;
	s7 =	sadd.s32 s21, s5  }
0x9f: {  	[timem:s9], [sflag:s22] =	dma.local [hbm:s7], s20  }
0xa0: {  	_ =	swait.ge [sflag:s22], s20  }
0xa1: {  	s6 =	ssub.s32 $0x0, s20;
	[sflag:s22] =	ssyncset.done $0x0  }
0xa2: {  	[sflag:s22] =	ssyncadd.s32 s6;
	_ =	sdelay $0x1  }
0xa3: {  	s23 =	simm.s32 $0x1B8B  }
0xa4: {  	_ =	swait.ge [sflag:s23], $0x1  }
0xa5: {  	[sflag:s23] =	ssyncset.done $0x0  }
0xa6: {  	s25 =	simm.s32 $0x1B8E;
	s24 =	sld [smem:$0x3FFE];
	[sflag:s23] =	ssyncadd.s32 $0xFFFFFFFF  }
0xa7: {  	s26 =	simm.s32 $execute0_lowered;
	[smem:$0x3FD2] =	sst s25  }
0xa8: {  	s7 =	sshll.u32 s26, $0x1;
	_ =	strace $0x80000046;
	[dreg:$0x1] =	wrdreg $0xFFFFFFFF  }
0xa9: {  	s28 =	simm.s32 $_size_execute0_lowered;
	s5 =	sadd.s32 s5, s7;
	[dreg:$0x0] =	wrdreg $0x0  }
0xaa: {  	s7 =	sshll.u32 s28, $0x1;
	[dreg:$0x2] =	wrdreg s5  }
0xab: {  	[dreg:$0x3] =	wrdreg s7  }
0xac: {  	[dreg:$0x4] =	wrdreg $0xC0  }
0xad: {  	_ =	task [dreg:s9], $0x5FFFF  }
0xae: {  	[dreg:$0x1] =	wrdreg $0xFFFFFFFF  }
0xaf: {  	[dreg:$0x0] =	wrdreg $0x60  }
0xb0: {  	[dreg:$0x2] =	wrdreg s24  }
0xb1: {  	[dreg:$0x3] =	wrdreg s2  }
0xb2: {  	[dreg:$0x4] =	wrdreg s18  }
0xb3: {  	[dreg:$0x5] =	wrdreg s4  }
0xb4: {  	[dreg:$0x6] =	wrdreg $0x9  }
0xb5: {  	_ =	task.clear_ibuf [dreg:s9], $0x7FFFF;
	_ =	strace $0x90000046  }
0xb6: {  	s29 =	simm.s32 $0x9;
	_ =	strace $0x80000048  }
0xb7: {  	_ =	swait.ge [sflag:s29], $0x1  }
0xb8: {  	[sflag:s29] =	ssyncadd.s32 $0xFFFFFFFF  }
0xb9: {  	_ =	strace $0x90000048  }
0xba: {  	_ =	sfence  }
0xbb: {  	s30 =	sld [smem:$0x0];
	_ =	sdelay $0x2  }
0xbc: {  	s31 =	sshll.u32 s1, $0xD;
	s1 =	sshrl.u32 s1, $0x2  }
0xbd: {  	s3 =	sand.u32 $0x4000, s31;
	s1 =	sadd.s32 s1, s30  }
0xbe: {  	s0 =	sor.u32 s3, s0;
	s1 =	sshll.u32 s1, $0x11  }
0xbf: {  	s0 =	sor.u32 s1, s0  }
0xc0: {  	s0 =	sadd.s32 $0x8F2B, s0  }
0xc1: {  	[sflag:s0] =	ssyncadd.remote.s32 $0x1  }
0xc2: {  	_ =	sfence.sel $0xFFFF  }
0xc3: {  	[dreg:$0x0] =	wrdreg $0xFFFFFFFF;
	(pc) =	sbr.abs _section_cstart, $3  }
0xc4: {  	[dreg:$0x1] =	wrdreg $0xFFFFFFFF  }
0xc5: {  	_ =	task.clear_ibuf [dreg:s9], $0x2FFFF;
	_ =	strace $0x9FFFFFFF  }
0xc6: {  	(tm) =	ssettm $0x7FFFFFFF  }
0xc7: {  	_ =	shalt  }
tec
execute0_lowered:
.L_overlay_start_1:
0x0: {  	(tag) =	ssettag $0x1  }
0x1: {  	s0 =	rddreg [dreg:$0x0]  }
0x2: {  	s1 =	rddreg [dreg:$0x1]  }
0x3: {  	s2 =	rddreg [dreg:$0x2]  }
0x4: {  	s4 =	rddreg [dreg:$0x3]  }
0x5: {  	s5 =	simm.s32 $0x0;
	s3 =	srdreg.scid;
	s6 =	stileid.u32  }
0x6: {  	s18 =	simm.s32 $0x10040;
	s21 =	simm.s32 $0x1;
	s22 =	simm.s32 $0x80  }
0x7: {  	s31 =	simm.s32 $0xCE40;
	s19 =	simm.s32 $0x2D8;
	s20 =	simm.s32 $0xBC40  }
0x8: {  	s28 =	simm.s32 $0x40;
	s29 =	simm.s32 $0x10;
	s15 =	simm.s32 $0x0  }
0x9: {  	[smem:$0x7FF] =	sst s5;
	s3 =	sand.u32 $0x1, s3;
	s6 =	sshll.u32 s6, $0x1  }
0xa: {  	s12 =	sadd.s32 $0x8, s4;
	_ =	strace $0x80000047;
	s7 =	sor.u32 s3, s6  }
0xb: {  	s6 =	sadd.s32 $0xF42A00, s0;
	s3 =	ssub.s32 $0x2, s3;
	s0 =	sadd.s32 $0x600, s0  }
0xc: {  	s9 =	smul.u32 $0x6400, s7;
	[dreg:$0x5] =	wrdreg s0;
	s23 =	sshrl.u32 s3, $0x1  }
0xd: {  	s10 =	smul.u32 $0x320000, s7;
	s8 =	sshll.u32 s7, $0x7;
	s7 =	simm.s32 $0x2  }
0xe: {  	s0 =	ssub.s32 s3, s23;
	s11 =	sadd.s32 $0xFFFFFFFE, s8;
	s23 =	simm.s32 $0x640  }
0xf: {  	s24 =	sshrl.u32 s9, $0x3;
	s26 =	sshrl.u32 s10, $0x3;
	s13 =	sor.u32 $0x190, s9  }
0x10: {  	s14 =	sor.u32 $0x320, s9;
	s0 =	smax.u32 s0, $0x1;
	s9 =	simm.s32 $0x6A40  }
.Ltmp0:
0x11: {  	s3 =	sadd.s32 s2, s24;
	[dreg:$0xa] =	wrdreg s0;
	(pc) =	sbr.rel .LBB2_1-.Ltmp0, $4  }
0x12: {  	s25 =	sadd.s32 s1, s24;
	[dreg:$0x7] =	wrdreg s3;
	s3 =	sadd.s32 s4, s26  }
0x13: {  	s24 =	simm.s32 $0x48;
	[dreg:$0x6] =	wrdreg s25;
	s30 =	sadd.s32 $0x62700, s3  }
0x14: {  	v0 =	vlaneseq.u32;
	s0 =	simm.s32 $0x190;
	s3 =	sadd.s32 $0x62708, s3;
	[dreg:$0x8] =	wrdreg s30  }
0x15: {  	v2 =	vimm.s32 $0x0;
	v1 =	vmul.u32 $0xFFFFFFFF, v0;
	s25 =	simm.s32 $0xE740;
	s26 =	simm.s32 $0x3;
	[dreg:$0x9] =	wrdreg s3  }
.LBB2_8:
0x16: {  	s3 =	simm.s32 $0x4  }
0x17: {  	_ =	swait.ge [sflag:s3], $0x6400  }
0x18: {  	[sflag:s3] =	ssyncset.done $0x0  }
0x19: {  	s15 =	rddreg [dreg:$0x8];
	[sflag:s3] =	ssyncadd.s32 $0xFFFF9C00  }
0x1a: {  	[hbm4b:s15+s28] =	stream.strided.scatter [tilespmem:s9], [sflag:$0x6], $0x6400, s22, s28, $0x38;
	[tilespmem:$0x10680] =	vst v63  }
0x1b: {  	s17 =	simm.s32 $0x5;
	s16 =	rddreg [dreg:$0x9]  }
0x1c: {  	[hbm4b:s16+s29] =	stream.strided.scatter [tilespmem:s25], [sflag:$0x6], $0x1900, s22, s29, $0x38;
	[tilespmem:$0x10680] =	vst v63  }
0x1d: {  	_ =	swait.ge [sflag:s17], $0x6400  }
0x1e: {  	[sflag:s17] =	ssyncset.done $0x0  }
0x1f: {  	[sflag:s17] =	ssyncadd.s32 $0xFFFF9C00  }
0x20: {  	_ =	swait.ge [sflag:s17], $0x1900  }
0x21: {  	[sflag:s17] =	ssyncset.done $0x0  }
0x22: {  	s10 =	simm.s32 $0x6;
	[sflag:s17] =	ssyncadd.s32 $0xFFFFE700  }
0x23: {  	_ =	swait.ge [sflag:s10], $0x6400  }
0x24: {  	[sflag:s10] =	ssyncset.done $0x0  }
0x25: {  	[sflag:s10] =	ssyncadd.s32 $0xFFFF9C00  }
0x26: {  	_ =	swait.ge [sflag:s10], $0x1900  }
0x27: {  	s15 =	rddreg [dreg:$0xb]  }
0x28: {  	s30 =	rddreg [dreg:$0xa];
	s15 =	sadd.s32 $0x1, s15  }
0x29: {  	p0 =	sne.s32 s15, s30  }
.Ltmp1:
0x2a: {  	_ = 	snop;
	(pc) =	sbr.rel @!p0 .LBB2_9-.Ltmp1, $3  }
0x2b: {  	_ =	sdelay $0x1  }
0x2c: {  	[sflag:s10] =	ssyncset.done $0x0  }
0x2d: {  	[sflag:s10] =	ssyncadd.s32 $0xFFFFE700  }
.LBB2_1:
0x2e: {  	[dreg:$0xb] =	wrdreg s15  }
0x2f: {  	s3 =	rddreg [dreg:$0x5];
	s15 =	simm.s32 $0x7  }
0x30: {  	[tilespmem:s18], [sflag:$0x7] =	stream.linear.gather [hbm4b:s3+s5], $0x640, $0x38;
	[tilespmem:$0x10680] =	vst v63  }
0x31: {  	_ =	swait.ge [sflag:s15], $0x640  }
0x32: {  	[sflag:s15] =	ssyncset.done $0x0  }
0x33: {  	s16 =	rddreg [dreg:$0x6];
	[sflag:s15] =	ssyncadd.s32 $0xFFFFF9C0  }
0x34: {  	[tilespmem:s5], [sflag:$0x1] =	stream.linear.gather [hbm4b:s16+s5], $0x190, $0x38;
	[tilespmem:$0x10680] =	vst v63  }
0x35: {  	s10 =	simm.s32 $0x320;
	s30 =	simm.s32 $0x0;
	s17 =	rddreg [dreg:$0x7]  }
0x36: {  	[tilespmem:s10], [sflag:$0x1] =	stream.linear.gather [hbm4b:s17+s5], $0x190, $0x38;
	[tilespmem:$0x10680] =	vst v63  }
.LBB2_2:
0x37: {  	_ =	swait.ge [sflag:s21], $0x190  }
0x38: {  	[sflag:s21] =	ssyncset.done $0x0  }
0x39: {  	[sflag:s21] =	ssyncadd.s32 $0xFFFFFE70  }
0x3a: {  	_ =	swait.ge [sflag:s21], $0x190  }
0x3b: {  	p0 =	seq.s32 s30, $0x0;
	[sflag:s21] =	ssyncset.done $0x0  }
0x3c: {  	s3 =	simm.s32 @!p0 $0x5;
	[sflag:s21] =	ssyncadd.s32 $0xFFFFFE70  }
0x3d: {  	_ =	swait.ge @!p0 [sflag:s3], $0x6400  }
0x3e: {  	[sflag:s3] =	ssyncset.done @!p0 $0x0  }
0x3f: {  	[sflag:s3] =	ssyncadd.s32 @!p0 $0xFFFF9C00  }
0x40: {  	_ =	swait.ge @!p0 [sflag:s3], $0x1900  }
0x41: {  	[sflag:s3] =	ssyncset.done @!p0 $0x0  }
0x42: {  	s10 =	simm.s32 $0x0;
	[sflag:s3] =	ssyncadd.s32 @!p0 $0xFFFFE700  }
0x43: {  	[tilespmem:s23], [sflag:$0x3] =	stream.indirect.gather [hbm4b:s6+s22], $0x40, s10, s22, $0xb8;
	[tilespmem:$0x10680] =	vst v63  }
0x44: {  	s16 =	simm.s32 $0x2640  }
0x45: {  	[tilespmem:s16], [sflag:$0x3] =	stream.indirect.gather [hbm4b:s6+s24], $0x40, s22, s24, $0xb8;
	[tilespmem:$0x10680] =	vst v63  }
0x46: {  	s17 =	simm.s32 $0xC8;
	s15 =	simm.s32 $0x3840;
	v3 =	vor.u32 s10, v0  }
0x47: {  	v4 =	vmulhi.u32 $0x51EB851F, v3;
	[tilespmem:s15], [sflag:$0x3] =	stream.indirect.gather [hbm4b:s6+s22], $0x40, s17, s22, $0xb8;
	[tilespmem:$0x10680] =	vst v63  }
0x48: {  	s3 =	simm.s32 $0x320;
	s16 =	simm.s32 $0x148;
	s17 =	simm.s32 $0x5840  }
0x49: {  	v4 =	vshrl.u32 v4, $0x6;
	[tilespmem:s17], [sflag:$0x3] =	stream.indirect.gather [hbm4b:s6+s24], $0x40, s16, s24, $0xb8;
	[tilespmem:$0x10680] =	vst v63  }
0x4a: {  	v6 =	vmov s10;
	v7 =	vmul.u32 $0xFFFFFF38, v4;
	v5 =	vld [tilespmem:s3+$0x0]  }
0x4b: {  	v8 =	vsub.s32 v1, v6  }
0x4c: {  	vm0 =	veq.s32 v6, v0;
	vm1 =	vne.s32 v7, v8  }
0x4d: {  	vm0 =	vmand vm0, vm1  }
0x4e: {  	v6 =	vsel vm0, $0xFFFFFFFF, v2  }
0x4f: {  	v4 =	vadd.s32 v6, v4;
	v5 =	vshll.u32 v5, $0x4  }
0x50: {  	v6 =	vmul.u32 $0xFFFFF38, v4;
	_ =	sdelay $0x1  }
0x51: {  	v4 =	vmul.u32 $0xC80, v4;
	v3 =	vadd.s32 v3, v6  }
0x52: {  	v3 =	vshll.u32 v3, $0x4  }
0x53: {  	v7 =	vadd.s32 v4, v3;
	v6 =	vld.idx.msk [tilespmem:v5+s18+$0x0], $0xffff  }
0x54: {  	v3 =	vor.u32 $0x1, v5;
	_ =	sdelay $0x3  }
0x55: {  	[tilespmem:v7+s31+$0x0] =	vst.idx.msk $0xffff, v6  }
0x56: {  	v4 =	vor.u32 $0x1, v7;
	v3 =	vld.idx.msk [tilespmem:v3+s18+$0x0], $0xffff  }
0x57: {  	v6 =	vor.u32 $0x2, v5;
	_ =	sdelay $0x3  }
0x58: {  	[tilespmem:v4+s31+$0x0] =	vst.idx.msk $0xffff, v3  }
0x59: {  	v4 =	vor.u32 $0x2, v7;
	v3 =	vld.idx.msk [tilespmem:v6+s18+$0x0], $0xffff  }
0x5a: {  	v6 =	vor.u32 $0x3, v5;
	_ =	sdelay $0x3  }
0x5b: {  	[tilespmem:v4+s31+$0x0] =	vst.idx.msk $0xffff, v3  }
0x5c: {  	v4 =	vor.u32 $0x3, v7;
	v3 =	vld.idx.msk [tilespmem:v6+s18+$0x0], $0xffff  }
0x5d: {  	v6 =	vor.u32 $0x4, v5;
	_ =	sdelay $0x3  }
0x5e: {  	[tilespmem:v4+s31+$0x0] =	vst.idx.msk $0xffff, v3  }
0x5f: {  	v4 =	vor.u32 $0x4, v7;
	v3 =	vld.idx.msk [tilespmem:v6+s18+$0x0], $0xffff  }
0x60: {  	v6 =	vor.u32 $0x5, v5;
	_ =	sdelay $0x3  }
0x61: {  	[tilespmem:v4+s31+$0x0] =	vst.idx.msk $0xffff, v3  }
0x62: {  	v4 =	vor.u32 $0x5, v7;
	v3 =	vld.idx.msk [tilespmem:v6+s18+$0x0], $0xffff  }
0x63: {  	v6 =	vor.u32 $0x6, v5;
	_ =	sdelay $0x3  }
0x64: {  	[tilespmem:v4+s31+$0x0] =	vst.idx.msk $0xffff, v3  }
0x65: {  	v4 =	vor.u32 $0x6, v7;
	v3 =	vld.idx.msk [tilespmem:v6+s18+$0x0], $0xffff  }
0x66: {  	v6 =	vor.u32 $0x7, v5;
	_ =	sdelay $0x3  }
0x67: {  	[tilespmem:v4+s31+$0x0] =	vst.idx.msk $0xffff, v3  }
0x68: {  	v4 =	vor.u32 $0x7, v7;
	v3 =	vld.idx.msk [tilespmem:v6+s18+$0x0], $0xffff  }
0x69: {  	v6 =	vor.u32 $0x8, v5;
	_ =	sdelay $0x3  }
0x6a: {  	[tilespmem:v4+s31+$0x0] =	vst.idx.msk $0xffff, v3  }
0x6b: {  	v4 =	vor.u32 $0x8, v7;
	v3 =	vld.idx.msk [tilespmem:v6+s18+$0x0], $0xffff  }
0x6c: {  	v6 =	vor.u32 $0x9, v5;
	_ =	sdelay $0x3  }
0x6d: {  	[tilespmem:v4+s31+$0x0] =	vst.idx.msk $0xffff, v3  }
0x6e: {  	v4 =	vor.u32 $0x9, v7;
	v3 =	vld.idx.msk [tilespmem:v6+s18+$0x0], $0xffff  }
0x6f: {  	v6 =	vor.u32 $0xA, v5;
	_ =	sdelay $0x3  }
0x70: {  	[tilespmem:v4+s31+$0x0] =	vst.idx.msk $0xffff, v3  }
0x71: {  	v4 =	vor.u32 $0xA, v7;
	v3 =	vld.idx.msk [tilespmem:v6+s18+$0x0], $0xffff  }
0x72: {  	v6 =	vor.u32 $0xB, v5;
	_ =	sdelay $0x3  }
0x73: {  	[tilespmem:v4+s31+$0x0] =	vst.idx.msk $0xffff, v3  }
0x74: {  	v4 =	vor.u32 $0xB, v7;
	v3 =	vld.idx.msk [tilespmem:v6+s18+$0x0], $0xffff  }
0x75: {  	v6 =	vor.u32 $0xC, v5;
	_ =	sdelay $0x3  }
0x76: {  	[tilespmem:v4+s31+$0x0] =	vst.idx.msk $0xffff, v3  }
0x77: {  	v4 =	vor.u32 $0xC, v7;
	v3 =	vld.idx.msk [tilespmem:v6+s18+$0x0], $0xffff  }
0x78: {  	v6 =	vor.u32 $0xD, v5;
	_ =	sdelay $0x3  }
0x79: {  	[tilespmem:v4+s31+$0x0] =	vst.idx.msk $0xffff, v3  }
0x7a: {  	v4 =	vor.u32 $0xD, v7;
	v3 =	vld.idx.msk [tilespmem:v6+s18+$0x0], $0xffff  }
0x7b: {  	v6 =	vor.u32 $0xE, v5;
	_ =	sdelay $0x3  }
0x7c: {  	[tilespmem:v4+s31+$0x0] =	vst.idx.msk $0xffff, v3  }
0x7d: {  	v4 =	vor.u32 $0xE, v7;
	v3 =	vld.idx.msk [tilespmem:v6+s18+$0x0], $0xffff  }
0x7e: {  	v5 =	vor.u32 $0xF, v5;
	_ =	sdelay $0x3  }
0x7f: {  	[tilespmem:v4+s31+$0x0] =	vst.idx.msk $0xffff, v3  }
0x80: {  	v3 =	vld.idx.msk [tilespmem:v5+s18+$0x0], $0xffff;
	v5 =	vor.u32 $0xF, v7  }
0x81: {  	s10 =	simm.s32 $0x10  }
0x82: {  	v4 =	vor.u32 s10, v0  }
0x83: {  	s15 =	simm.s32 $0x20;
	v6 =	vmulhi.u32 $0x51EB851F, v4  }
.LBB2_3:
0x84: {  	p1 =	sne.s32 s15, $0x180  }
0x85: {  	[tilespmem:v5+s31+$0x0] =	vst.idx.msk $0xffff, v3;
	s3 =	sadd.s32 $0x10, s3;
	s16 =	smov.u32 s15;
	s15 =	sadd.s32 $0x10, s15  }
0x86: {  	v5 =	vshrl.u32 v6, $0x6;
	v3 =	vld [tilespmem:s3+$0x0]  }
0x87: {  	v6 =	vmov s10;
	s10 =	smov.u32 s16;
	v7 =	vmul.u32 $0xFFFFFF38, v5  }
0x88: {  	v8 =	vsub.s32 v1, v6  }
0x89: {  	vm0 =	veq.s32 v6, v0;
	vm1 =	vne.s32 v7, v8  }
0x8a: {  	vm0 =	vmand vm0, vm1  }
0x8b: {  	v6 =	vsel vm0, $0xFFFFFFFF, v2;
	v3 =	vshll.u32 v3, $0x4  }
0x8c: {  	v5 =	vadd.s32 v6, v5  }
0x8d: {  	v6 =	vmul.u32 $0xFFFFF38, v5;
	_ =	sdelay $0x1  }
0x8e: {  	v5 =	vmul.u32 $0xC80, v5;
	v4 =	vadd.s32 v4, v6  }
0x8f: {  	v6 =	vld.idx.msk [tilespmem:v3+s18+$0x0], $0xffff;
	v4 =	vshll.u32 v4, $0x4  }
0x90: {  	v4 =	vadd.s32 v5, v4  }
0x91: {  	v5 =	vor.u32 $0x1, v3;
	_ =	sdelay $0x3  }
0x92: {  	[tilespmem:v4+s31+$0x0] =	vst.idx.msk $0xffff, v6  }
0x93: {  	v5 =	vld.idx.msk [tilespmem:v5+s18+$0x0], $0xffff  }
0x94: {  	v6 =	vor.u32 $0x1, v4  }
0x95: {  	v7 =	vor.u32 $0x2, v3;
	_ =	sdelay $0x3  }
0x96: {  	[tilespmem:v6+s31+$0x0] =	vst.idx.msk $0xffff, v5  }
0x97: {  	v5 =	vld.idx.msk [tilespmem:v7+s18+$0x0], $0xffff  }
0x98: {  	v6 =	vor.u32 $0x2, v4  }
0x99: {  	v7 =	vor.u32 $0x3, v3;
	_ =	sdelay $0x3  }
0x9a: {  	[tilespmem:v6+s31+$0x0] =	vst.idx.msk $0xffff, v5  }
0x9b: {  	v5 =	vld.idx.msk [tilespmem:v7+s18+$0x0], $0xffff  }
0x9c: {  	v6 =	vor.u32 $0x3, v4  }
0x9d: {  	v7 =	vor.u32 $0x4, v3;
	_ =	sdelay $0x3  }
0x9e: {  	[tilespmem:v6+s31+$0x0] =	vst.idx.msk $0xffff, v5  }
0x9f: {  	v5 =	vld.idx.msk [tilespmem:v7+s18+$0x0], $0xffff  }
0xa0: {  	v6 =	vor.u32 $0x4, v4  }
0xa1: {  	v7 =	vor.u32 $0x5, v3;
	_ =	sdelay $0x3  }
0xa2: {  	[tilespmem:v6+s31+$0x0] =	vst.idx.msk $0xffff, v5  }
0xa3: {  	v5 =	vld.idx.msk [tilespmem:v7+s18+$0x0], $0xffff  }
0xa4: {  	v6 =	vor.u32 $0x5, v4  }
0xa5: {  	v7 =	vor.u32 $0x6, v3;
	_ =	sdelay $0x3  }
0xa6: {  	[tilespmem:v6+s31+$0x0] =	vst.idx.msk $0xffff, v5  }
0xa7: {  	v5 =	vld.idx.msk [tilespmem:v7+s18+$0x0], $0xffff  }
0xa8: {  	v6 =	vor.u32 $0x6, v4  }
0xa9: {  	v7 =	vor.u32 $0x7, v3;
	_ =	sdelay $0x3  }
0xaa: {  	[tilespmem:v6+s31+$0x0] =	vst.idx.msk $0xffff, v5  }
0xab: {  	v5 =	vld.idx.msk [tilespmem:v7+s18+$0x0], $0xffff  }
0xac: {  	v6 =	vor.u32 $0x7, v4  }
0xad: {  	v7 =	vor.u32 $0x8, v3;
	_ =	sdelay $0x3  }
0xae: {  	[tilespmem:v6+s31+$0x0] =	vst.idx.msk $0xffff, v5  }
0xaf: {  	v5 =	vld.idx.msk [tilespmem:v7+s18+$0x0], $0xffff  }
0xb0: {  	v6 =	vor.u32 $0x8, v4  }
0xb1: {  	v7 =	vor.u32 $0x9, v3;
	_ =	sdelay $0x3  }
0xb2: {  	[tilespmem:v6+s31+$0x0] =	vst.idx.msk $0xffff, v5  }
0xb3: {  	v5 =	vld.idx.msk [tilespmem:v7+s18+$0x0], $0xffff  }
0xb4: {  	v6 =	vor.u32 $0x9, v4  }
0xb5: {  	v7 =	vor.u32 $0xA, v3;
	_ =	sdelay $0x3  }
0xb6: {  	[tilespmem:v6+s31+$0x0] =	vst.idx.msk $0xffff, v5  }
0xb7: {  	v5 =	vld.idx.msk [tilespmem:v7+s18+$0x0], $0xffff  }
0xb8: {  	v6 =	vor.u32 $0xA, v4  }
0xb9: {  	v7 =	vor.u32 $0xB, v3;
	_ =	sdelay $0x3  }
0xba: {  	[tilespmem:v6+s31+$0x0] =	vst.idx.msk $0xffff, v5  }
0xbb: {  	v5 =	vld.idx.msk [tilespmem:v7+s18+$0x0], $0xffff  }
0xbc: {  	v6 =	vor.u32 $0xB, v4  }
0xbd: {  	v7 =	vor.u32 $0xC, v3;
	_ =	sdelay $0x3  }
0xbe: {  	[tilespmem:v6+s31+$0x0] =	vst.idx.msk $0xffff, v5  }
0xbf: {  	v5 =	vld.idx.msk [tilespmem:v7+s18+$0x0], $0xffff  }
0xc0: {  	v6 =	vor.u32 $0xC, v4  }
0xc1: {  	v7 =	vor.u32 $0xD, v3;
	_ =	sdelay $0x3  }
0xc2: {  	[tilespmem:v6+s31+$0x0] =	vst.idx.msk $0xffff, v5  }
0xc3: {  	v5 =	vld.idx.msk [tilespmem:v7+s18+$0x0], $0xffff  }
0xc4: {  	v6 =	vor.u32 $0xD, v4  }
0xc5: {  	v7 =	vor.u32 $0xE, v3;
	_ =	sdelay $0x3  }
0xc6: {  	[tilespmem:v6+s31+$0x0] =	vst.idx.msk $0xffff, v5  }
0xc7: {  	v5 =	vld.idx.msk [tilespmem:v7+s18+$0x0], $0xffff  }
0xc8: {  	v6 =	vor.u32 $0xE, v4  }
0xc9: {  	v3 =	vor.u32 $0xF, v3;
	_ =	sdelay $0x3  }
0xca: {  	[tilespmem:v6+s31+$0x0] =	vst.idx.msk $0xffff, v5  }
0xcb: {  	v3 =	vld.idx.msk [tilespmem:v3+s18+$0x0], $0xffff  }
.Ltmp2:
0xcc: {  	v5 =	vor.u32 $0xF, v4;
	(pc) =	sbr.rel @p1 .LBB2_3-.Ltmp2, $3  }
0xcd: {  	_ =	sdelay $0x1  }
0xce: {  	v4 =	vor.u32 s10, v0  }
0xcf: {  	v6 =	vmulhi.u32 $0x51EB851F, v4  }
0xd0: {  	_ =	sdelay $0x3  }
0xd1: {  	[tilespmem:v5+s31+$0x0] =	vst.idx.msk $0xffff, v3;
	s3 =	sadd.s32 $0x10, s3;
	v3 =	vshrl.u32 v6, $0x6  }
0xd2: {  	v5 =	vld [tilespmem:s3+$0x0];
	v6 =	vmov s10;
	v7 =	vmul.u32 $0xFFFFFF38, v3  }
0xd3: {  	v8 =	vsub.s32 v1, v6  }
0xd4: {  	vm0 =	veq.s32 v6, v0;
	vm1 =	vne.s32 v7, v8  }
0xd5: {  	vm0 =	vmand vm0, vm1  }
0xd6: {  	v6 =	vsel vm0, $0xFFFFFFFF, v2  }
0xd7: {  	v5 =	vshll.u32 v5, $0x4;
	v3 =	vadd.s32 v6, v3  }
0xd8: {  	v6 =	vmul.u32 $0xFFFFF38, v3;
	_ =	sdelay $0x1  }
0xd9: {  	v3 =	vmul.u32 $0xC80, v3;
	v4 =	vadd.s32 v4, v6  }
0xda: {  	v4 =	vshll.u32 v4, $0x4  }
0xdb: {  	v6 =	vld.idx.msk [tilespmem:v5+s18+$0x0], $0xffff;
	v3 =	vadd.s32 v3, v4  }
0xdc: {  	v4 =	vor.u32 $0x1, v5;
	_ =	sdelay $0x3  }
0xdd: {  	[tilespmem:v3+s31+$0x0] =	vst.idx.msk $0xffff, v6  }
0xde: {  	v6 =	vor.u32 $0x1, v3;
	v4 =	vld.idx.msk [tilespmem:v4+s18+$0x0], $0xffff  }
0xdf: {  	v7 =	vor.u32 $0x2, v5;
	_ =	sdelay $0x3  }
0xe0: {  	[tilespmem:v6+s31+$0x0] =	vst.idx.msk $0xffff, v4  }
0xe1: {  	v6 =	vor.u32 $0x2, v3;
	v4 =	vld.idx.msk [tilespmem:v7+s18+$0x0], $0xffff  }
0xe2: {  	v7 =	vor.u32 $0x3, v5;
	_ =	sdelay $0x3  }
0xe3: {  	[tilespmem:v6+s31+$0x0] =	vst.idx.msk $0xffff, v4  }
0xe4: {  	v6 =	vor.u32 $0x3, v3;
	v4 =	vld.idx.msk [tilespmem:v7+s18+$0x0], $0xffff  }
0xe5: {  	v7 =	vor.u32 $0x4, v5;
	_ =	sdelay $0x3  }
0xe6: {  	[tilespmem:v6+s31+$0x0] =	vst.idx.msk $0xffff, v4  }
0xe7: {  	v6 =	vor.u32 $0x4, v3;
	v4 =	vld.idx.msk [tilespmem:v7+s18+$0x0], $0xffff  }
0xe8: {  	v7 =	vor.u32 $0x5, v5;
	_ =	sdelay $0x3  }
0xe9: {  	[tilespmem:v6+s31+$0x0] =	vst.idx.msk $0xffff, v4  }
0xea: {  	v6 =	vor.u32 $0x5, v3;
	v4 =	vld.idx.msk [tilespmem:v7+s18+$0x0], $0xffff  }
0xeb: {  	v7 =	vor.u32 $0x6, v5;
	_ =	sdelay $0x3  }
0xec: {  	[tilespmem:v6+s31+$0x0] =	vst.idx.msk $0xffff, v4  }
0xed: {  	v6 =	vor.u32 $0x6, v3;
	v4 =	vld.idx.msk [tilespmem:v7+s18+$0x0], $0xffff  }
0xee: {  	v7 =	vor.u32 $0x7, v5;
	_ =	sdelay $0x3  }
0xef: {  	[tilespmem:v6+s31+$0x0] =	vst.idx.msk $0xffff, v4  }
0xf0: {  	v6 =	vor.u32 $0x7, v3;
	v4 =	vld.idx.msk [tilespmem:v7+s18+$0x0], $0xffff  }
0xf1: {  	v7 =	vor.u32 $0x8, v5;
	_ =	sdelay $0x3  }
0xf2: {  	[tilespmem:v6+s31+$0x0] =	vst.idx.msk $0xffff, v4  }
0xf3: {  	v6 =	vor.u32 $0x8, v3;
	v4 =	vld.idx.msk [tilespmem:v7+s18+$0x0], $0xffff  }
0xf4: {  	v7 =	vor.u32 $0x9, v5;
	_ =	sdelay $0x3  }
0xf5: {  	[tilespmem:v6+s31+$0x0] =	vst.idx.msk $0xffff, v4  }
0xf6: {  	v6 =	vor.u32 $0x9, v3;
	v4 =	vld.idx.msk [tilespmem:v7+s18+$0x0], $0xffff  }
0xf7: {  	v7 =	vor.u32 $0xA, v5;
	_ =	sdelay $0x3  }
0xf8: {  	[tilespmem:v6+s31+$0x0] =	vst.idx.msk $0xffff, v4  }
0xf9: {  	v6 =	vor.u32 $0xA, v3;
	v4 =	vld.idx.msk [tilespmem:v7+s18+$0x0], $0xffff  }
0xfa: {  	v7 =	vor.u32 $0xB, v5;
	_ =	sdelay $0x3  }
0xfb: {  	[tilespmem:v6+s31+$0x0] =	vst.idx.msk $0xffff, v4  }
0xfc: {  	v6 =	vor.u32 $0xB, v3;
	v4 =	vld.idx.msk [tilespmem:v7+s18+$0x0], $0xffff  }
0xfd: {  	v7 =	vor.u32 $0xC, v5;
	_ =	sdelay $0x3  }
0xfe: {  	[tilespmem:v6+s31+$0x0] =	vst.idx.msk $0xffff, v4  }
0xff: {  	v6 =	vor.u32 $0xC, v3;
	v4 =	vld.idx.msk [tilespmem:v7+s18+$0x0], $0xffff  }
0x100: {  	v7 =	vor.u32 $0xD, v5;
	_ =	sdelay $0x3  }
0x101: {  	[tilespmem:v6+s31+$0x0] =	vst.idx.msk $0xffff, v4  }
0x102: {  	v6 =	vor.u32 $0xD, v3;
	v4 =	vld.idx.msk [tilespmem:v7+s18+$0x0], $0xffff  }
0x103: {  	v7 =	vor.u32 $0xE, v5;
	_ =	sdelay $0x3  }
0x104: {  	[tilespmem:v6+s31+$0x0] =	vst.idx.msk $0xffff, v4  }
0x105: {  	v6 =	vor.u32 $0xE, v3;
	v4 =	vld.idx.msk [tilespmem:v7+s18+$0x0], $0xffff  }
0x106: {  	v5 =	vor.u32 $0xF, v5;
	_ =	sdelay $0x3  }
0x107: {  	[tilespmem:v6+s31+$0x0] =	vst.idx.msk $0xffff, v4  }
0x108: {  	v3 =	vor.u32 $0xF, v3;
	v4 =	vld.idx.msk [tilespmem:v5+s18+$0x0], $0xffff;
	_ =	sdelay $0x3  }
0x109: {  	s3 =	sshll.u32 @!p0 s30, $0x2  }
0x10a: {  	s10 =	simm.s32 @!p0 $0x4;
	s3 =	sadd.s32 @!p0 s3, s11;
	[tilespmem:v3+s31+$0x0] =	vst.idx.msk $0xffff, v4  }
0x10b: {  	s3 =	smul.u32 @!p0 $0xC80, s3;
	_ =	swait.ge @!p0 [sflag:s10], $0x6400  }
0x10c: {  	s15 =	simm.s32 @!p0 $0x40;
	s16 =	simm.s32 @!p0 $0x80;
	[sflag:s10] =	ssyncset.done @!p0 $0x0  }
0x10d: {  	s17 =	simm.s32 @!p0 $0x6A40;
	[sflag:s10] =	ssyncadd.s32 @!p0 $0xFFFF9C00;
	s10 =	sadd.s32 @!p0 s4, s3  }
0x10e: {  	[hbm4b:s10+s15] =	stream.strided.scatter @!p0 [tilespmem:s17], [sflag:$0x6], $0x6400, s16, s15, $0x38;
	[tilespmem:$0x10680] =	vst v63  }
0x10f: {  	s10 =	sadd.s32 @!p0 s3, s12  }
0x110: {  	s15 =	simm.s32 @!p0 $0x10;
	s17 =	simm.s32 @!p0 $0xE740;
	s3 =	smul.u32 $0x320, s30  }
0x111: {  	[hbm4b:s10+s15] =	stream.strided.scatter @!p0 [tilespmem:s17], [sflag:$0x6], $0x1900, s16, s15, $0x38;
	[tilespmem:$0x10680] =	vst v63  }
0x112: {  	s15 =	sadd.s32 s3, s13  }
0x113: {  	s10 =	sshrl.u32 s15, $0x3  }
0x114: {  	s16 =	sadd.s32 s1, s10  }
0x115: {  	[tilespmem:s0], [sflag:$0x2] =	stream.linear.gather [hbm4b:s16+s5], $0x190, $0x38;
	[tilespmem:$0x10680] =	vst v63  }
0x116: {  	s17 =	simm.s32 $0x4B0;
	s10 =	sadd.s32 s2, s10  }
0x117: {  	[tilespmem:s17], [sflag:$0x2] =	stream.linear.gather [hbm4b:s10+s5], $0x190, $0x38;
	[tilespmem:$0x10680] =	vst v63  }
0x118: {  	_ =	swait.ge [sflag:s7], $0x190  }
0x119: {  	[sflag:s7] =	ssyncset.done $0x0  }
0x11a: {  	[sflag:s7] =	ssyncadd.s32 $0xFFFFFE70  }
0x11b: {  	_ =	swait.ge [sflag:s7], $0x190  }
0x11c: {  	[sflag:s7] =	ssyncset.done $0x0  }
0x11d: {  	s10 =	simm.s32 @!p0 $0x6;
	[sflag:s7] =	ssyncadd.s32 $0xFFFFFE70  }
0x11e: {  	_ =	swait.ge @!p0 [sflag:s10], $0x6400  }
0x11f: {  	[sflag:s10] =	ssyncset.done @!p0 $0x0  }
0x120: {  	[sflag:s10] =	ssyncadd.s32 @!p0 $0xFFFF9C00  }
0x121: {  	_ =	swait.ge @!p0 [sflag:s10], $0x1900  }
0x122: {  	[sflag:s10] =	ssyncset.done @!p0 $0x0  }
0x123: {  	[sflag:s10] =	ssyncadd.s32 @!p0 $0xFFFFE700  }
0x124: {  	[tilespmem:s9], [sflag:$0x4] =	stream.indirect.gather [hbm4b:s6+s22], $0x40, s0, s22, $0xb8;
	[tilespmem:$0x10680] =	vst v63  }
0x125: {  	s15 =	simm.s32 $0x0;
	s16 =	simm.s32 $0x210;
	s17 =	simm.s32 $0x8A40  }
0x126: {  	[tilespmem:s17], [sflag:$0x4] =	stream.indirect.gather [hbm4b:s6+s24], $0x40, s16, s24, $0xb8;
	[tilespmem:$0x10680] =	vst v63  }
0x127: {  	v3 =	vor.u32 s15, v0;
	s16 =	simm.s32 $0x258;
	s17 =	simm.s32 $0x9C40  }
0x128: {  	v4 =	vmulhi.u32 $0x51EB851F, v3;
	[tilespmem:s17], [sflag:$0x4] =	stream.indirect.gather [hbm4b:s6+s22], $0x40, s16, s22, $0xb8;
	[tilespmem:$0x10680] =	vst v63  }
0x129: {  	s10 =	simm.s32 $0x4B0  }
0x12a: {  	v4 =	vshrl.u32 v4, $0x6;
	[tilespmem:s20], [sflag:$0x4] =	stream.indirect.gather [hbm4b:s6+s24], $0x40, s19, s24, $0xb8;
	[tilespmem:$0x10680] =	vst v63  }
0x12b: {  	v6 =	vmov s15;
	v7 =	vmul.u32 $0xFFFFFF38, v4;
	v5 =	vld [tilespmem:s10+$0x0]  }
0x12c: {  	v8 =	vsub.s32 v1, v6  }
0x12d: {  	vm14 =	veq.s32 v6, v0;
	vm15 =	vne.s32 v7, v8  }
0x12e: {  	vm0 =	vmand vm14, vm15  }
0x12f: {  	v6 =	vsel vm0, $0xFFFFFFFF, v2  }
0x130: {  	v4 =	vadd.s32 v6, v4;
	v5 =	vshll.u32 v5, $0x4  }
0x131: {  	v6 =	vmul.u32 $0xFFFFF38, v4;
	_ =	sdelay $0x1  }
0x132: {  	v4 =	vmul.u32 $0xC80, v4;
	v3 =	vadd.s32 v3, v6  }
0x133: {  	v3 =	vshll.u32 v3, $0x4  }
0x134: {  	v7 =	vadd.s32 v4, v3;
	v6 =	vld.idx.msk [tilespmem:v5+s18+$0x0], $0xffff  }
0x135: {  	v3 =	vor.u32 $0x1, v5;
	_ =	sdelay $0x3  }
0x136: {  	[tilespmem:v7+s25+$0x0] =	vst.idx.msk $0xffff, v6  }
0x137: {  	v4 =	vor.u32 $0x1, v7;
	v3 =	vld.idx.msk [tilespmem:v3+s18+$0x0], $0xffff  }
0x138: {  	v6 =	vor.u32 $0x2, v5;
	_ =	sdelay $0x3  }
0x139: {  	[tilespmem:v4+s25+$0x0] =	vst.idx.msk $0xffff, v3  }
0x13a: {  	v4 =	vor.u32 $0x2, v7;
	v3 =	vld.idx.msk [tilespmem:v6+s18+$0x0], $0xffff  }
0x13b: {  	v6 =	vor.u32 $0x3, v5;
	_ =	sdelay $0x3  }
0x13c: {  	[tilespmem:v4+s25+$0x0] =	vst.idx.msk $0xffff, v3  }
0x13d: {  	v4 =	vor.u32 $0x3, v7;
	v3 =	vld.idx.msk [tilespmem:v6+s18+$0x0], $0xffff  }
0x13e: {  	v6 =	vor.u32 $0x4, v5;
	_ =	sdelay $0x3  }
0x13f: {  	[tilespmem:v4+s25+$0x0] =	vst.idx.msk $0xffff, v3  }
0x140: {  	v4 =	vor.u32 $0x4, v7;
	v3 =	vld.idx.msk [tilespmem:v6+s18+$0x0], $0xffff  }
0x141: {  	v6 =	vor.u32 $0x5, v5;
	_ =	sdelay $0x3  }
0x142: {  	[tilespmem:v4+s25+$0x0] =	vst.idx.msk $0xffff, v3  }
0x143: {  	v4 =	vor.u32 $0x5, v7;
	v3 =	vld.idx.msk [tilespmem:v6+s18+$0x0], $0xffff  }
0x144: {  	v6 =	vor.u32 $0x6, v5;
	_ =	sdelay $0x3  }
0x145: {  	[tilespmem:v4+s25+$0x0] =	vst.idx.msk $0xffff, v3  }
0x146: {  	v4 =	vor.u32 $0x6, v7;
	v3 =	vld.idx.msk [tilespmem:v6+s18+$0x0], $0xffff  }
0x147: {  	v6 =	vor.u32 $0x7, v5;
	_ =	sdelay $0x3  }
0x148: {  	[tilespmem:v4+s25+$0x0] =	vst.idx.msk $0xffff, v3  }
0x149: {  	v4 =	vor.u32 $0x7, v7;
	v3 =	vld.idx.msk [tilespmem:v6+s18+$0x0], $0xffff  }
0x14a: {  	v6 =	vor.u32 $0x8, v5;
	_ =	sdelay $0x3  }
0x14b: {  	[tilespmem:v4+s25+$0x0] =	vst.idx.msk $0xffff, v3  }
0x14c: {  	v4 =	vor.u32 $0x8, v7;
	v3 =	vld.idx.msk [tilespmem:v6+s18+$0x0], $0xffff  }
0x14d: {  	v6 =	vor.u32 $0x9, v5;
	_ =	sdelay $0x3  }
0x14e: {  	[tilespmem:v4+s25+$0x0] =	vst.idx.msk $0xffff, v3  }
0x14f: {  	v4 =	vor.u32 $0x9, v7;
	v3 =	vld.idx.msk [tilespmem:v6+s18+$0x0], $0xffff  }
0x150: {  	v6 =	vor.u32 $0xA, v5;
	_ =	sdelay $0x3  }
0x151: {  	[tilespmem:v4+s25+$0x0] =	vst.idx.msk $0xffff, v3  }
0x152: {  	v4 =	vor.u32 $0xA, v7;
	v3 =	vld.idx.msk [tilespmem:v6+s18+$0x0], $0xffff  }
0x153: {  	v6 =	vor.u32 $0xB, v5;
	_ =	sdelay $0x3  }
0x154: {  	[tilespmem:v4+s25+$0x0] =	vst.idx.msk $0xffff, v3  }
0x155: {  	v4 =	vor.u32 $0xB, v7;
	v3 =	vld.idx.msk [tilespmem:v6+s18+$0x0], $0xffff  }
0x156: {  	v6 =	vor.u32 $0xC, v5;
	_ =	sdelay $0x3  }
0x157: {  	[tilespmem:v4+s25+$0x0] =	vst.idx.msk $0xffff, v3  }
0x158: {  	v4 =	vor.u32 $0xC, v7;
	v3 =	vld.idx.msk [tilespmem:v6+s18+$0x0], $0xffff  }
0x159: {  	v6 =	vor.u32 $0xD, v5;
	_ =	sdelay $0x3  }
0x15a: {  	[tilespmem:v4+s25+$0x0] =	vst.idx.msk $0xffff, v3  }
0x15b: {  	v4 =	vor.u32 $0xD, v7;
	v3 =	vld.idx.msk [tilespmem:v6+s18+$0x0], $0xffff  }
0x15c: {  	v6 =	vor.u32 $0xE, v5;
	_ =	sdelay $0x3  }
0x15d: {  	[tilespmem:v4+s25+$0x0] =	vst.idx.msk $0xffff, v3  }
0x15e: {  	v4 =	vor.u32 $0xE, v7;
	v3 =	vld.idx.msk [tilespmem:v6+s18+$0x0], $0xffff  }
0x15f: {  	v5 =	vor.u32 $0xF, v5;
	_ =	sdelay $0x3  }
0x160: {  	[tilespmem:v4+s25+$0x0] =	vst.idx.msk $0xffff, v3  }
0x161: {  	v3 =	vld.idx.msk [tilespmem:v5+s18+$0x0], $0xffff;
	v5 =	vor.u32 $0xF, v7  }
0x162: {  	s15 =	simm.s32 $0x10  }
0x163: {  	v4 =	vor.u32 s15, v0  }
0x164: {  	s16 =	simm.s32 $0x20;
	v6 =	vmulhi.u32 $0x51EB851F, v4  }
.LBB2_5:
0x165: {  	p0 =	sne.s32 s16, $0x180  }
0x166: {  	[tilespmem:v5+s25+$0x0] =	vst.idx.msk $0xffff, v3;
	s10 =	sadd.s32 $0x10, s10;
	s17 =	smov.u32 s16;
	s16 =	sadd.s32 $0x10, s16  }
0x167: {  	v5 =	vshrl.u32 v6, $0x6;
	v3 =	vld [tilespmem:s10+$0x0]  }
0x168: {  	v6 =	vmov s15;
	s15 =	smov.u32 s17;
	v7 =	vmul.u32 $0xFFFFFF38, v5  }
0x169: {  	v8 =	vsub.s32 v1, v6  }
0x16a: {  	vm0 =	veq.s32 v6, v0;
	vm1 =	vne.s32 v7, v8  }
0x16b: {  	vm0 =	vmand vm0, vm1  }
0x16c: {  	v6 =	vsel vm0, $0xFFFFFFFF, v2;
	v3 =	vshll.u32 v3, $0x4  }
0x16d: {  	v5 =	vadd.s32 v6, v5  }
0x16e: {  	v6 =	vmul.u32 $0xFFFFF38, v5;
	_ =	sdelay $0x1  }
0x16f: {  	v5 =	vmul.u32 $0xC80, v5;
	v4 =	vadd.s32 v4, v6  }
0x170: {  	v6 =	vld.idx.msk [tilespmem:v3+s18+$0x0], $0xffff;
	v4 =	vshll.u32 v4, $0x4  }
0x171: {  	v4 =	vadd.s32 v5, v4  }
0x172: {  	v5 =	vor.u32 $0x1, v3;
	_ =	sdelay $0x3  }
0x173: {  	[tilespmem:v4+s25+$0x0] =	vst.idx.msk $0xffff, v6  }
0x174: {  	v5 =	vld.idx.msk [tilespmem:v5+s18+$0x0], $0xffff  }
0x175: {  	v6 =	vor.u32 $0x1, v4  }
0x176: {  	v7 =	vor.u32 $0x2, v3;
	_ =	sdelay $0x3  }
0x177: {  	[tilespmem:v6+s25+$0x0] =	vst.idx.msk $0xffff, v5  }
0x178: {  	v5 =	vld.idx.msk [tilespmem:v7+s18+$0x0], $0xffff  }
0x179: {  	v6 =	vor.u32 $0x2, v4  }
0x17a: {  	v7 =	vor.u32 $0x3, v3;
	_ =	sdelay $0x3  }
0x17b: {  	[tilespmem:v6+s25+$0x0] =	vst.idx.msk $0xffff, v5  }
0x17c: {  	v5 =	vld.idx.msk [tilespmem:v7+s18+$0x0], $0xffff  }
0x17d: {  	v6 =	vor.u32 $0x3, v4  }
0x17e: {  	v7 =	vor.u32 $0x4, v3;
	_ =	sdelay $0x3  }
0x17f: {  	[tilespmem:v6+s25+$0x0] =	vst.idx.msk $0xffff, v5  }
0x180: {  	v5 =	vld.idx.msk [tilespmem:v7+s18+$0x0], $0xffff  }
0x181: {  	v6 =	vor.u32 $0x4, v4  }
0x182: {  	v7 =	vor.u32 $0x5, v3;
	_ =	sdelay $0x3  }
0x183: {  	[tilespmem:v6+s25+$0x0] =	vst.idx.msk $0xffff, v5  }
0x184: {  	v5 =	vld.idx.msk [tilespmem:v7+s18+$0x0], $0xffff  }
0x185: {  	v6 =	vor.u32 $0x5, v4  }
0x186: {  	v7 =	vor.u32 $0x6, v3;
	_ =	sdelay $0x3  }
0x187: {  	[tilespmem:v6+s25+$0x0] =	vst.idx.msk $0xffff, v5  }
0x188: {  	v5 =	vld.idx.msk [tilespmem:v7+s18+$0x0], $0xffff  }
0x189: {  	v6 =	vor.u32 $0x6, v4  }
0x18a: {  	v7 =	vor.u32 $0x7, v3;
	_ =	sdelay $0x3  }
0x18b: {  	[tilespmem:v6+s25+$0x0] =	vst.idx.msk $0xffff, v5  }
0x18c: {  	v5 =	vld.idx.msk [tilespmem:v7+s18+$0x0], $0xffff  }
0x18d: {  	v6 =	vor.u32 $0x7, v4  }
0x18e: {  	v7 =	vor.u32 $0x8, v3;
	_ =	sdelay $0x3  }
0x18f: {  	[tilespmem:v6+s25+$0x0] =	vst.idx.msk $0xffff, v5  }
0x190: {  	v5 =	vld.idx.msk [tilespmem:v7+s18+$0x0], $0xffff  }
0x191: {  	v6 =	vor.u32 $0x8, v4  }
0x192: {  	v7 =	vor.u32 $0x9, v3;
	_ =	sdelay $0x3  }
0x193: {  	[tilespmem:v6+s25+$0x0] =	vst.idx.msk $0xffff, v5  }
0x194: {  	v5 =	vld.idx.msk [tilespmem:v7+s18+$0x0], $0xffff  }
0x195: {  	v6 =	vor.u32 $0x9, v4  }
0x196: {  	v7 =	vor.u32 $0xA, v3;
	_ =	sdelay $0x3  }
0x197: {  	[tilespmem:v6+s25+$0x0] =	vst.idx.msk $0xffff, v5  }
0x198: {  	v5 =	vld.idx.msk [tilespmem:v7+s18+$0x0], $0xffff  }
0x199: {  	v6 =	vor.u32 $0xA, v4  }
0x19a: {  	v7 =	vor.u32 $0xB, v3;
	_ =	sdelay $0x3  }
0x19b: {  	[tilespmem:v6+s25+$0x0] =	vst.idx.msk $0xffff, v5  }
0x19c: {  	v5 =	vld.idx.msk [tilespmem:v7+s18+$0x0], $0xffff  }
0x19d: {  	v6 =	vor.u32 $0xB, v4  }
0x19e: {  	v7 =	vor.u32 $0xC, v3;
	_ =	sdelay $0x3  }
0x19f: {  	[tilespmem:v6+s25+$0x0] =	vst.idx.msk $0xffff, v5  }
0x1a0: {  	v5 =	vld.idx.msk [tilespmem:v7+s18+$0x0], $0xffff  }
0x1a1: {  	v6 =	vor.u32 $0xC, v4  }
0x1a2: {  	v7 =	vor.u32 $0xD, v3;
	_ =	sdelay $0x3  }
0x1a3: {  	[tilespmem:v6+s25+$0x0] =	vst.idx.msk $0xffff, v5  }
0x1a4: {  	v5 =	vld.idx.msk [tilespmem:v7+s18+$0x0], $0xffff  }
0x1a5: {  	v6 =	vor.u32 $0xD, v4  }
0x1a6: {  	v7 =	vor.u32 $0xE, v3;
	_ =	sdelay $0x3  }
0x1a7: {  	[tilespmem:v6+s25+$0x0] =	vst.idx.msk $0xffff, v5  }
0x1a8: {  	v5 =	vld.idx.msk [tilespmem:v7+s18+$0x0], $0xffff  }
0x1a9: {  	v6 =	vor.u32 $0xE, v4  }
0x1aa: {  	v3 =	vor.u32 $0xF, v3;
	_ =	sdelay $0x3  }
0x1ab: {  	[tilespmem:v6+s25+$0x0] =	vst.idx.msk $0xffff, v5  }
0x1ac: {  	v3 =	vld.idx.msk [tilespmem:v3+s18+$0x0], $0xffff  }
.Ltmp3:
0x1ad: {  	v5 =	vor.u32 $0xF, v4;
	(pc) =	sbr.rel @p0 .LBB2_5-.Ltmp3, $3  }
0x1ae: {  	_ =	sdelay $0x1  }
0x1af: {  	v4 =	vor.u32 s15, v0  }
0x1b0: {  	v6 =	vmulhi.u32 $0x51EB851F, v4  }
0x1b1: {  	_ =	sdelay $0x3  }
0x1b2: {  	[tilespmem:v5+s25+$0x0] =	vst.idx.msk $0xffff, v3;
	s10 =	sadd.s32 $0x10, s10;
	v3 =	vshrl.u32 v6, $0x6  }
0x1b3: {  	v33 =	vmov s15;
	v5 =	vld [tilespmem:s10+$0x0];
	v7 =	vmul.u32 $0xFFFFFF38, v3  }
0x1b4: {  	v8 =	vsub.s32 v1, v33  }
0x1b5: {  	vm0 =	veq.s32 v33, v0;
	vm1 =	vne.s32 v7, v8  }
0x1b6: {  	vm0 =	vmand vm0, vm1  }
0x1b7: {  	v34 =	vsel vm0, $0xFFFFFFFF, v2  }
0x1b8: {  	v5 =	vshll.u32 v5, $0x4;
	v3 =	vadd.s32 v34, v3  }
0x1b9: {  	v6 =	vmul.u32 $0xFFFFF38, v3;
	_ =	sdelay $0x1  }
0x1ba: {  	v3 =	vmul.u32 $0xC80, v3;
	v4 =	vadd.s32 v4, v6  }
0x1bb: {  	v4 =	vshll.u32 v4, $0x4  }
0x1bc: {  	v35 =	vld.idx.msk [tilespmem:v5+s18+$0x0], $0xffff;
	v3 =	vadd.s32 v3, v4  }
0x1bd: {  	v36 =	vor.u32 $0x1, v5;
	_ =	sdelay $0x3  }
0x1be: {  	[tilespmem:v3+s25+$0x0] =	vst.idx.msk $0xffff, v35  }
0x1bf: {  	v37 =	vor.u32 $0x1, v3;
	v4 =	vld.idx.msk [tilespmem:v36+s18+$0x0], $0xffff  }
0x1c0: {  	v38 =	vor.u32 $0x2, v5;
	_ =	sdelay $0x3  }
0x1c1: {  	[tilespmem:v37+s25+$0x0] =	vst.idx.msk $0xffff, v4  }
0x1c2: {  	v39 =	vor.u32 $0x2, v3;
	v4 =	vld.idx.msk [tilespmem:v38+s18+$0x0], $0xffff  }
0x1c3: {  	v40 =	vor.u32 $0x3, v5;
	_ =	sdelay $0x3  }
0x1c4: {  	[tilespmem:v39+s25+$0x0] =	vst.idx.msk $0xffff, v4  }
0x1c5: {  	v41 =	vor.u32 $0x3, v3;
	v4 =	vld.idx.msk [tilespmem:v40+s18+$0x0], $0xffff  }
0x1c6: {  	v42 =	vor.u32 $0x4, v5;
	_ =	sdelay $0x3  }
0x1c7: {  	[tilespmem:v41+s25+$0x0] =	vst.idx.msk $0xffff, v4  }
0x1c8: {  	v43 =	vor.u32 $0x4, v3;
	v4 =	vld.idx.msk [tilespmem:v42+s18+$0x0], $0xffff  }
0x1c9: {  	v44 =	vor.u32 $0x5, v5;
	_ =	sdelay $0x3  }
0x1ca: {  	[tilespmem:v43+s25+$0x0] =	vst.idx.msk $0xffff, v4  }
0x1cb: {  	v45 =	vor.u32 $0x5, v3;
	v4 =	vld.idx.msk [tilespmem:v44+s18+$0x0], $0xffff  }
0x1cc: {  	v46 =	vor.u32 $0x6, v5;
	_ =	sdelay $0x3  }
0x1cd: {  	[tilespmem:v45+s25+$0x0] =	vst.idx.msk $0xffff, v4  }
0x1ce: {  	v47 =	vor.u32 $0x6, v3;
	v4 =	vld.idx.msk [tilespmem:v46+s18+$0x0], $0xffff  }
0x1cf: {  	v48 =	vor.u32 $0x7, v5;
	_ =	sdelay $0x3  }
0x1d0: {  	[tilespmem:v47+s25+$0x0] =	vst.idx.msk $0xffff, v4  }
0x1d1: {  	v49 =	vor.u32 $0x7, v3;
	v4 =	vld.idx.msk [tilespmem:v48+s18+$0x0], $0xffff  }
0x1d2: {  	v50 =	vor.u32 $0x8, v5;
	_ =	sdelay $0x3  }
0x1d3: {  	[tilespmem:v49+s25+$0x0] =	vst.idx.msk $0xffff, v4  }
0x1d4: {  	v51 =	vor.u32 $0x8, v3;
	v4 =	vld.idx.msk [tilespmem:v50+s18+$0x0], $0xffff  }
0x1d5: {  	v52 =	vor.u32 $0x9, v5;
	_ =	sdelay $0x3  }
0x1d6: {  	[tilespmem:v51+s25+$0x0] =	vst.idx.msk $0xffff, v4  }
0x1d7: {  	v53 =	vor.u32 $0x9, v3;
	v4 =	vld.idx.msk [tilespmem:v52+s18+$0x0], $0xffff  }
0x1d8: {  	v54 =	vor.u32 $0xA, v5;
	_ =	sdelay $0x3  }
0x1d9: {  	[tilespmem:v53+s25+$0x0] =	vst.idx.msk $0xffff, v4  }
0x1da: {  	v55 =	vor.u32 $0xA, v3;
	v4 =	vld.idx.msk [tilespmem:v54+s18+$0x0], $0xffff  }
0x1db: {  	v56 =	vor.u32 $0xB, v5;
	_ =	sdelay $0x3  }
0x1dc: {  	[tilespmem:v55+s25+$0x0] =	vst.idx.msk $0xffff, v4  }
0x1dd: {  	v57 =	vor.u32 $0xB, v3;
	v4 =	vld.idx.msk [tilespmem:v56+s18+$0x0], $0xffff  }
0x1de: {  	v58 =	vor.u32 $0xC, v5;
	_ =	sdelay $0x3  }
0x1df: {  	[tilespmem:v57+s25+$0x0] =	vst.idx.msk $0xffff, v4  }
0x1e0: {  	v59 =	vor.u32 $0xC, v3;
	v4 =	vld.idx.msk [tilespmem:v58+s18+$0x0], $0xffff  }
0x1e1: {  	v60 =	vor.u32 $0xD, v5;
	_ =	sdelay $0x3  }
0x1e2: {  	[tilespmem:v59+s25+$0x0] =	vst.idx.msk $0xffff, v4  }
0x1e3: {  	v61 =	vor.u32 $0xD, v3;
	v4 =	vld.idx.msk [tilespmem:v60+s18+$0x0], $0xffff  }
0x1e4: {  	v62 =	vor.u32 $0xE, v5;
	_ =	sdelay $0x3  }
0x1e5: {  	[tilespmem:v61+s25+$0x0] =	vst.idx.msk $0xffff, v4  }
0x1e6: {  	v63 =	vor.u32 $0xE, v3;
	v4 =	vld.idx.msk [tilespmem:v62+s18+$0x0], $0xffff  }
0x1e7: {  	v5 =	vor.u32 $0xF, v5;
	_ =	sdelay $0x3  }
0x1e8: {  	[tilespmem:v63+s25+$0x0] =	vst.idx.msk $0xffff, v4  }
0x1e9: {  	v3 =	vor.u32 $0xF, v3;
	v4 =	vld.idx.msk [tilespmem:v5+s18+$0x0], $0xffff;
	_ =	sdelay $0x3  }
0x1ea: {  	s16 =	sshll.u32 s30, $0x2  }
0x1eb: {  	s10 =	sadd.s32 s8, s16;
	[tilespmem:v3+s25+$0x0] =	vst.idx.msk $0xffff, v4  }
0x1ec: {  	p0 =	seq.s32 s30, $0x1F;
	s10 =	smul.u32 $0xC80, s10;
	_ =	swait.ge [sflag:s26], $0x6400  }
.Ltmp4:
0x1ed: {  	[sflag:s26] =	ssyncset.done $0x0;
	(pc) =	sbr.rel @p0 .LBB2_8-.Ltmp4, $4  }
0x1ee: {  	s17 =	sadd.s32 s4, s10;
	[sflag:s26] =	ssyncadd.s32 $0xFFFF9C00  }
0x1ef: {  	[hbm4b:s17+s28] =	stream.strided.scatter [tilespmem:s23], [sflag:$0x5], $0x6400, s22, s28, $0x38;
	[tilespmem:$0x10680] =	vst v63  }
0x1f0: {  	s10 =	sadd.s32 s10, s12  }
0x1f1: {  	[hbm4b:s10+s29] =	stream.strided.scatter [tilespmem:s31], [sflag:$0x5], $0x1900, s22, s29, $0x38;
	[tilespmem:$0x10680] =	vst v63  }
0x1f2: {  	s3 =	sadd.s32 s3, s14  }
.Ltmp5:
0x1f3: {  	s3 =	sshrl.u32 s3, $0x3;
	(pc) =	sbr.rel .LBB2_2-.Ltmp5, $4  }
0x1f4: {  	s10 =	sadd.s32 s1, s3  }
0x1f5: {  	[tilespmem:s5], [sflag:$0x1] =	stream.linear.gather [hbm4b:s10+s5], $0x190, $0x38;
	[tilespmem:$0x10680] =	vst v63  }
0x1f6: {  	s17 =	simm.s32 $0x320;
	s30 =	sadd.s32 $0x1, s30;
	s3 =	sadd.s32 s2, s3  }
0x1f7: {  	[tilespmem:s17], [sflag:$0x1] =	stream.linear.gather [hbm4b:s3+s5], $0x190, $0x38;
	[tilespmem:$0x10680] =	vst v63  }
.LBB2_9:
0x1f8: {  	_ =	sfence.sel $0x180000  }
0x1f9: {  	[bflag:$0x0] =	sbarrier.arrive $0xFFFF  }
0x1fa: {  	_ =	strace $0x90000047  }
0x1fb: {  	s0 =	stileid.u32;
	[bflag:$0x2] =	sbarrier.arrive $0xFFFF  }
0x1fc: {  	p0 =	sne.s32 s0, $0x0;
	s0 =	rddreg [dreg:$0x4]  }
0x1fd: {  	s0 =	sadd.s32 @!p0 $0x100000, s0  }
0x1fe: {  	[sflag:s0] =	ssyncadd.tile.s32 @!p0 $0x1;
	_ =	shalt  }
.Lfunc_end2:
_tile_overlayer_lowered:
.L_overlay_start_2:
0x1ff: {  	(tag) =	ssettag $0x2  }
0x200: {  	s0 =	rddreg [dreg:$0x0];
	s2 =	stileid.u32  }
0x201: {  	s1 =	rddreg [dreg:$0x1];
	p0 =	sne.s32 s2, $0x0  }
0x202: {  	s3 =	rddreg [dreg:$0x2];
	[bflag:$0x3] =	sbarrier.arrive $0xFFFF;
	s2 =	simm.s32 @!p0 $0x1C07  }
0x203: {  	[timem:s3], [sflag:s2] =	dma.local @!p0 [hbm:s0], s1  }
0x204: {  	s0 =	simm.s32 @!p0 $0x7  }
0x205: {  	_ =	swait.ge @!p0 [sflag:s0], s1  }
0x206: {  	s1 =	ssub.s32 @!p0 $0x0, s1;
	[sflag:s0] =	ssyncset.done @!p0 $0x0  }
0x207: {  	[sflag:s0] =	ssyncadd.s32 @!p0 s1  }
0x208: {  	[bflag:$0x3] =	sbarrier.arrive $0xFFFF  }
0x209: {  	_ =	shalt  }

</sc_bundles>
